<compile_context>
chip_gen: v7x
topology: tpu7x:2x2x1
jax: 0.10.2.dev20260603
libtpu: 0.0.44.dev20260713+nightly
codegen_flags: <defaults>
</compile_context>

<pallas_src>
import jax
import jax.numpy as jnp
from jax import lax
from jax.experimental import pallas as pl
from jax.experimental.pallas import tpu as pltpu
from jax.experimental.pallas import tpu_sc as plsc

F = 26
V = 100000
D = 32
B = 16384

NC = 2
NS = 16
NW = NC * NS
BW = B // NW
CHUNK = 128
NCH = BW // CHUNK
LANES = 16


def _body(x_hbm, tab_hbm, out_hbm, xv, idxv, acc, sem):
    wid = lax.axis_index("s") * NC + lax.axis_index("c")
    base = wid * BW

    pltpu.sync_copy(x_hbm.at[pl.ds(base * F, BW * F)], xv)

    lane = lax.iota(jnp.int32, LANES)
    jper = CHUNK // LANES

    def build_f(f, _):
        off = f * V

        def build_j(j, _):
            flat = (j * LANES + lane) * F + f
            vals = plsc.load_gather(xv, [flat]) + off
            r = f * NCH + j // jper
            idxv[r, pl.ds((j % jper) * LANES, LANES)] = vals
            return 0

        lax.fori_loop(0, BW // LANES, build_j, 0, unroll=4)
        return 0

    lax.fori_loop(0, F, build_f, 0)

    descs = [
        pltpu.async_copy(
            tab_hbm.at[idxv.at[c]], acc.at[pl.ds(c * CHUNK, CHUNK)], sem
        )
        for c in range(NCH)
    ]
    for d in descs:
        d.wait()

    for c in range(NCH):
        accc = acc.at[pl.ds(c * CHUNK, CHUNK)]

        def fire_f(f, _):
            pltpu.async_copy(
                tab_hbm.at[idxv.at[f * NCH + c]], accc, sem, add=True
            )
            return 0

        lax.fori_loop(1, F, fire_f, 0)

    def drain(i, _):
        pltpu.make_async_copy(
            tab_hbm.at[idxv.at[0]], acc.at[pl.ds(0, CHUNK)], sem
        ).wait()
        return 0

    lax.fori_loop(0, (F - 1) * NCH, drain, 0)

    pltpu.sync_copy(acc, out_hbm.at[pl.ds(base, BW)])


def kernel(x, tables):
    flat_tab = tables.reshape(F * V, D)
    flat_x = x.reshape(B * F)
    run = pl.kernel(
        _body,
        out_type=jax.ShapeDtypeStruct((B, D), jnp.float32),
        compiler_params=pltpu.CompilerParams(
            needs_layout_passes=False, use_tc_tiling_on_sc=False,
        ),
        mesh=plsc.VectorSubcoreMesh(
            core_axis_name="c", subcore_axis_name="s",
            num_cores=NC, num_subcores=NS,
        ),
        scratch_types=[
            pltpu.VMEM((BW * F,), jnp.int32),
            pltpu.VMEM((F * NCH, CHUNK), jnp.int32),
            pltpu.VMEM((BW, D), jnp.float32),
            pltpu.SemaphoreType.DMA,
        ],
    )
    return run(flat_x, flat_tab)

# --- scband reference (transcript-rebuilt; emitter-appended) ---
"""Pipeline reference for scband-encoder-39067022524495 (READ-ONLY COPY).

The authoritative reference and input builder live on the scoring server;
editing this copy changes nothing except your own understanding.
"""

import jax, jax.numpy as jnp
import numpy as np

NUM_FIELDS = 26
VOCAB = 100000
EMB_DIM = 32
BATCH = 16384

def setup_inputs(seed: int = 0) -> dict:
    key = jax.random.key(seed)
    k1, k2 = jax.random.split(key)
    x = jax.random.randint(k1, (BATCH, NUM_FIELDS), 0, VOCAB, dtype=jnp.int32)
    # Xavier-uniform init per table: bound = sqrt(6 / (fan_in + fan_out)) = sqrt(6 / (VOCAB + EMB_DIM))
    bound = np.sqrt(6.0 / (VOCAB + EMB_DIM))
    tables = jax.random.uniform(k2, (NUM_FIELDS, VOCAB, EMB_DIM), dtype=jnp.float32, minval=-bound, maxval=bound)
    return {"x": x, "tables": tables}

def reference(x, tables):
    # Faithful translation: sum over per-field embedding lookups.
    # tables[i][x[:, i]] for each field i, summed.
    field_ids = jnp.arange(NUM_FIELDS)  # (F,)
    # fancy indexing broadcasts (F,) with x (B, F) -> gathered (B, F, D)
    gathered = tables[field_ids[None, :], x]  # (B, F, D)
    x_embedding = jnp.sum(gathered, axis=1)   # (B, D)
    return x_embedding

if __name__ == "__main__":
    import jax
    _d = setup_inputs()
    print(jax.jit(kernel)(*tuple(_d.values())))

</pallas_src>

<mosaic_0001>
#map = affine_map<(d0, d1) -> (0)>
#map1 = affine_map<(d0, d1) -> (0, 0)>
module attributes {stable_mosaic.version = 14 : i64} {
  func.func @_body(%arg0: i32, %arg1: i32, %arg2: memref<425984xi32, #tpu.memory_space<hbm>>, %arg3: memref<2600000x32xf32, #tpu.memory_space<hbm>>, %arg4: memref<16384x32xf32, #tpu.memory_space<hbm>>, %arg5: memref<13312xi32, #tpu.memory_space<vmem>>, %arg6: memref<104x128xi32, #tpu.memory_space<vmem>>, %arg7: memref<512x32xf32, #tpu.memory_space<vmem>>, %arg8: memref<!tpu.dma_semaphore, #tpu.memory_space<semaphore_mem>>) attributes {dimension_semantics = [#tpu.dimension_semantics<core_parallel>, #tpu.dimension_semantics<subcore_parallel>], iteration_bounds = array<i64: 2, 16>, scalar_prefetch = 0 : i64, scratch_operands = 4 : i64, tpu.core_type = #tpu.core_type<sc_vector_subcore>, window_params = [{transform_indices = #map}, {transform_indices = #map1}, {transform_indices = #map1}]} {
    %mul3A = arith.constant 2 : i32
    %mul3A_0 = arith.muli %arg1, %mul3A : i32
    %add3A = arith.addi %mul3A_0, %arg0 : i32
    %mul3A_1 = arith.constant 512 : i32
    %mul3A_2 = arith.muli %add3A, %mul3A_1 : i32
    %mul3A_3 = arith.constant 26 : i32
    %mul3A_4 = arith.muli %mul3A_2, %mul3A_3 : i32
    "tpu.region"() ({
      %run_scoped3A = tpu.sem_alloc : memref<!tpu.dma_semaphore, #tpu.memory_space<semaphore_mem>>
      %dma_start3A_124 = tpu.memref_slice %arg2[%mul3A_4] : memref<425984xi32, #tpu.memory_space<hbm>> -> memref<13312xi32, #tpu.memory_space<hbm>>
      %dma_start3A_125 = tpu.memref_slice %arg2[%mul3A_4] : memref<425984xi32, #tpu.memory_space<hbm>> -> memref<13312xi32, #tpu.memory_space<hbm>>
      tpu.enqueue_dma source(%dma_start3A_125 : memref<13312xi32, #tpu.memory_space<hbm>>) target(%arg5 : memref<13312xi32, #tpu.memory_space<vmem>>) target_semaphore(%run_scoped3A : memref<!tpu.dma_semaphore, #tpu.memory_space<semaphore_mem>>)
      %dma_wait3A_126 = tpu.memref_slice %arg2[%mul3A_4] : memref<425984xi32, #tpu.memory_space<hbm>> -> memref<13312xi32, #tpu.memory_space<hbm>>
      %dma_wait3A_127 = tpu.memref_slice %arg2[%mul3A_4] : memref<425984xi32, #tpu.memory_space<hbm>> -> memref<13312xi32, #tpu.memory_space<hbm>>
      tpu.wait_dma2 semaphore(%run_scoped3A : memref<!tpu.dma_semaphore, #tpu.memory_space<semaphore_mem>>) src(%dma_wait3A_127 : memref<13312xi32, #tpu.memory_space<hbm>>) dst(%arg5 : memref<13312xi32, #tpu.memory_space<vmem>>)
      tpu.yield
    }) : () -> ()
    %iota3A = tpu.iota {dimensions = array<i32: 0>} : vector<16xi32>
    %scan3A = arith.constant 0 : i32
    %scan3A_5 = arith.constant 0 : i32
    %scan3A_6 = arith.constant 26 : i32
    %scan3A_7 = arith.addi %scan3A_5, %scan3A_6 : i32
    %scan3A_8 = arith.constant 1 : i32
    %scan3A_9 = scf.for %scan3A_124 = %scan3A_5 to %scan3A_7 step %scan3A_8 iter_args(%scan3A_125 = %scan3A) -> (i32)  : i32 {
      %mul3A_126 = arith.constant 100000 : i32
      %mul3A_127 = arith.muli %scan3A_124, %mul3A_126 : i32
      %scan3A_128 = arith.constant 0 : i32
      %scan3A_129 = arith.constant 0 : i32
      %scan3A_130 = arith.constant 32 : i32
      %scan3A_131 = arith.addi %scan3A_129, %scan3A_130 : i32
      %scan3A_132 = arith.constant 4 : i32
      %scan3A_133 = scf.for %scan3A_136 = %scan3A_129 to %scan3A_131 step %scan3A_132 iter_args(%scan3A_137 = %scan3A_128) -> (i32)  : i32 {
        %mul3A_138 = arith.constant 16 : i32
        %mul3A_139 = arith.muli %scan3A_136, %mul3A_138 : i32
        %add3A_140 = vector.broadcast %mul3A_139 : i32 to vector<16xi32>
        %add3A_141 = arith.addi %add3A_140, %iota3A : vector<16xi32>
        %mul3A_142 = arith.constant 26 : i32
        %mul3A_143 = vector.broadcast %mul3A_142 : i32 to vector<16xi32>
        %mul3A_144 = arith.muli %add3A_141, %mul3A_143 : vector<16xi32>
        %add3A_145 = vector.broadcast %scan3A_124 : i32 to vector<16xi32>
        %add3A_146 = arith.addi %mul3A_144, %add3A_145 : vector<16xi32>
        %gather3A = tpu.vector_load_idx %arg5[%add3A_146] : memref<13312xi32, #tpu.memory_space<vmem>>[vector<16xi32>], vector<16xi32>,
        %add3A_147 = vector.broadcast %mul3A_127 : i32 to vector<16xi32>
        %add3A_148 = arith.addi %gather3A, %add3A_147 : vector<16xi32>
        %mul3A_149 = arith.constant 4 : i32
        %mul3A_150 = arith.muli %scan3A_124, %mul3A_149 : i32
        %jit3A = arith.constant 8 : i32
        %div3A = arith.divsi %scan3A_136, %jit3A : i32
        %sign3A = arith.constant 0 : i32
        %sign3A_151 = arith.cmpi sgt, %scan3A_136, %sign3A : i32
        %sign3A_152 = arith.extui %sign3A_151 : i1 to i32
        %sign3A_153 = arith.constant 0 : i32
        %sign3A_154 = arith.cmpi slt, %scan3A_136, %sign3A_153 : i32
        %sign3A_155 = arith.extui %sign3A_154 : i1 to i32
        %sign3A_156 = arith.subi %sign3A_152, %sign3A_155 : i32
        %sign3A_157 = arith.constant 0 : i32
        %sign3A_158 = arith.cmpi sgt, %jit3A, %sign3A_157 : i32
        %sign3A_159 = arith.extui %sign3A_158 : i1 to i32
        %sign3A_160 = arith.constant 0 : i32
        %sign3A_161 = arith.cmpi slt, %jit3A, %sign3A_160 : i32
        %sign3A_162 = arith.extui %sign3A_161 : i1 to i32
        %sign3A_163 = arith.subi %sign3A_159, %sign3A_162 : i32
        %ne3A = arith.cmpi ne, %sign3A_156, %sign3A_163 : i32
        %rem3A = arith.remsi %scan3A_136, %jit3A : i32
        %ne3A_164 = arith.constant 0 : i32
        %ne3A_165 = arith.cmpi ne, %rem3A, %ne3A_164 : i32
        %and3A = arith.andi %ne3A, %ne3A_165 : i1
        %sub3A = arith.constant 1 : i32
        %sub3A_166 = arith.subi %div3A, %sub3A : i32
        %select_n3A = arith.select %and3A, %sub3A_166, %div3A : i32
        %add3A_167 = arith.addi %mul3A_150, %select_n3A : i32
        %jit3A_168 = arith.constant 8 : i32
        %eq3A = arith.constant 0 : i32
        %eq3A_169 = arith.cmpi eq, %jit3A_168, %eq3A : i32
        %jit3A_170 = arith.constant 1 : i32
        %select_n3A_171 = arith.select %eq3A_169, %jit3A_170, %jit3A_168 : i32
        %rem3A_172 = arith.remsi %scan3A_136, %select_n3A_171 : i32
        %ne3A_173 = arith.constant 0 : i32
        %ne3A_174 = arith.cmpi ne, %rem3A_172, %ne3A_173 : i32
        %lt3A = arith.constant 0 : i32
        %lt3A_175 = arith.cmpi slt, %rem3A_172, %lt3A : i32
        %lt3A_176 = arith.constant 0 : i32
        %lt3A_177 = arith.cmpi slt, %select_n3A_171, %lt3A_176 : i32
        %ne3A_178 = arith.xori %lt3A_175, %lt3A_177 : i1
        %and3A_179 = arith.andi %ne3A_178, %ne3A_174 : i1
        %add3A_180 = arith.addi %rem3A_172, %select_n3A_171 : i32
        %select_n3A_181 = arith.select %and3A_179, %add3A_180, %rem3A_172 : i32
        %mul3A_182 = arith.constant 16 : i32
        %mul3A_183 = arith.muli %select_n3A_181, %mul3A_182 : i32
        %swap3A = arith.index_cast %add3A_167 : i32 to index
        %swap3A_184 = arith.index_cast %mul3A_183 : i32 to index
        %swap3A_185 = tpu.vector_load %arg6[%swap3A, %swap3A_184] {strides = array<i32>} : memref<104x128xi32, #tpu.memory_space<vmem>>, vector<16xi32>,
        tpu.vector_store %arg6[%swap3A, %swap3A_184], %add3A_148 {strides = array<i32>} : memref<104x128xi32, #tpu.memory_space<vmem>>, vector<16xi32>,
        %scan3A_186 = arith.constant 0 : i32
        %scan3A_187 = arith.constant 1 : i32
        %scan3A_188 = arith.addi %scan3A_136, %scan3A_187 : i32
        %mul3A_189 = arith.constant 16 : i32
        %mul3A_190 = arith.muli %scan3A_188, %mul3A_189 : i32
        %add3A_191 = vector.broadcast %mul3A_190 : i32 to vector<16xi32>
        %add3A_192 = arith.addi %add3A_191, %iota3A : vector<16xi32>
        %mul3A_193 = arith.constant 26 : i32
        %mul3A_194 = vector.broadcast %mul3A_193 : i32 to vector<16xi32>
        %mul3A_195 = arith.muli %add3A_192, %mul3A_194 : vector<16xi32>
        %add3A_196 = vector.broadcast %scan3A_124 : i32 to vector<16xi32>
        %add3A_197 = arith.addi %mul3A_195, %add3A_196 : vector<16xi32>
        %gather3A_198 = tpu.vector_load_idx %arg5[%add3A_197] : memref<13312xi32, #tpu.memory_space<vmem>>[vector<16xi32>], vector<16xi32>,
        %add3A_199 = vector.broadcast %mul3A_127 : i32 to vector<16xi32>
        %add3A_200 = arith.addi %gather3A_198, %add3A_199 : vector<16xi32>
        %mul3A_201 = arith.constant 4 : i32
        %mul3A_202 = arith.muli %scan3A_124, %mul3A_201 : i32
        %jit3A_203 = arith.constant 8 : i32
        %div3A_204 = arith.divsi %scan3A_188, %jit3A_203 : i32
        %sign3A_205 = arith.constant 0 : i32
        %sign3A_206 = arith.cmpi sgt, %scan3A_188, %sign3A_205 : i32
        %sign3A_207 = arith.extui %sign3A_206 : i1 to i32
        %sign3A_208 = arith.constant 0 : i32
        %sign3A_209 = arith.cmpi slt, %scan3A_188, %sign3A_208 : i32
        %sign3A_210 = arith.extui %sign3A_209 : i1 to i32
        %sign3A_211 = arith.subi %sign3A_207, %sign3A_210 : i32
        %sign3A_212 = arith.constant 0 : i32
        %sign3A_213 = arith.cmpi sgt, %jit3A_203, %sign3A_212 : i32
        %sign3A_214 = arith.extui %sign3A_213 : i1 to i32
        %sign3A_215 = arith.constant 0 : i32
        %sign3A_216 = arith.cmpi slt, %jit3A_203, %sign3A_215 : i32
        %sign3A_217 = arith.extui %sign3A_216 : i1 to i32
        %sign3A_218 = arith.subi %sign3A_214, %sign3A_217 : i32
        %ne3A_219 = arith.cmpi ne, %sign3A_211, %sign3A_218 : i32
        %rem3A_220 = arith.remsi %scan3A_188, %jit3A_203 : i32
        %ne3A_221 = arith.constant 0 : i32
        %ne3A_222 = arith.cmpi ne, %rem3A_220, %ne3A_221 : i32
        %and3A_223 = arith.andi %ne3A_219, %ne3A_222 : i1
        %sub3A_224 = arith.constant 1 : i32
        %sub3A_225 = arith.subi %div3A_204, %sub3A_224 : i32
        %select_n3A_226 = arith.select %and3A_223, %sub3A_225, %div3A_204 : i32
        %add3A_227 = arith.addi %mul3A_202, %select_n3A_226 : i32
        %jit3A_228 = arith.constant 8 : i32
        %eq3A_229 = arith.constant 0 : i32
        %eq3A_230 = arith.cmpi eq, %jit3A_228, %eq3A_229 : i32
        %jit3A_231 = arith.constant 1 : i32
        %select_n3A_232 = arith.select %eq3A_230, %jit3A_231, %jit3A_228 : i32
        %rem3A_233 = arith.remsi %scan3A_188, %select_n3A_232 : i32
        %ne3A_234 = arith.constant 0 : i32
        %ne3A_235 = arith.cmpi ne, %rem3A_233, %ne3A_234 : i32
        %lt3A_236 = arith.constant 0 : i32
        %lt3A_237 = arith.cmpi slt, %rem3A_233, %lt3A_236 : i32
        %lt3A_238 = arith.constant 0 : i32
        %lt3A_239 = arith.cmpi slt, %select_n3A_232, %lt3A_238 : i32
        %ne3A_240 = arith.xori %lt3A_237, %lt3A_239 : i1
        %and3A_241 = arith.andi %ne3A_240, %ne3A_235 : i1
        %add3A_242 = arith.addi %rem3A_233, %select_n3A_232 : i32
        %select_n3A_243 = arith.select %and3A_241, %add3A_242, %rem3A_233 : i32
        %mul3A_244 = arith.constant 16 : i32
        %mul3A_245 = arith.muli %select_n3A_243, %mul3A_244 : i32
        %swap3A_246 = arith.index_cast %add3A_227 : i32 to index
        %swap3A_247 = arith.index_cast %mul3A_245 : i32 to index
        %swap3A_248 = tpu.vector_load %arg6[%swap3A_246, %swap3A_247] {strides = array<i32>} : memref<104x128xi32, #tpu.memory_space<vmem>>, vector<16xi32>,
        tpu.vector_store %arg6[%swap3A_246, %swap3A_247], %add3A_200 {strides = array<i32>} : memref<104x128xi32, #tpu.memory_space<vmem>>, vector<16xi32>,
        %scan3A_249 = arith.constant 0 : i32
        %scan3A_250 = arith.constant 2 : i32
        %scan3A_251 = arith.addi %scan3A_136, %scan3A_250 : i32
        %mul3A_252 = arith.constant 16 : i32
        %mul3A_253 = arith.muli %scan3A_251, %mul3A_252 : i32
        %add3A_254 = vector.broadcast %mul3A_253 : i32 to vector<16xi32>
        %add3A_255 = arith.addi %add3A_254, %iota3A : vector<16xi32>
        %mul3A_256 = arith.constant 26 : i32
        %mul3A_257 = vector.broadcast %mul3A_256 : i32 to vector<16xi32>
        %mul3A_258 = arith.muli %add3A_255, %mul3A_257 : vector<16xi32>
        %add3A_259 = vector.broadcast %scan3A_124 : i32 to vector<16xi32>
        %add3A_260 = arith.addi %mul3A_258, %add3A_259 : vector<16xi32>
        %gather3A_261 = tpu.vector_load_idx %arg5[%add3A_260] : memref<13312xi32, #tpu.memory_space<vmem>>[vector<16xi32>], vector<16xi32>,
        %add3A_262 = vector.broadcast %mul3A_127 : i32 to vector<16xi32>
        %add3A_263 = arith.addi %gather3A_261, %add3A_262 : vector<16xi32>
        %mul3A_264 = arith.constant 4 : i32
        %mul3A_265 = arith.muli %scan3A_124, %mul3A_264 : i32
        %jit3A_266 = arith.constant 8 : i32
        %div3A_267 = arith.divsi %scan3A_251, %jit3A_266 : i32
        %sign3A_268 = arith.constant 0 : i32
        %sign3A_269 = arith.cmpi sgt, %scan3A_251, %sign3A_268 : i32
        %sign3A_270 = arith.extui %sign3A_269 : i1 to i32
        %sign3A_271 = arith.constant 0 : i32
        %sign3A_272 = arith.cmpi slt, %scan3A_251, %sign3A_271 : i32
        %sign3A_273 = arith.extui %sign3A_272 : i1 to i32
        %sign3A_274 = arith.subi %sign3A_270, %sign3A_273 : i32
        %sign3A_275 = arith.constant 0 : i32
        %sign3A_276 = arith.cmpi sgt, %jit3A_266, %sign3A_275 : i32
        %sign3A_277 = arith.extui %sign3A_276 : i1 to i32
        %sign3A_278 = arith.constant 0 : i32
        %sign3A_279 = arith.cmpi slt, %jit3A_266, %sign3A_278 : i32
        %sign3A_280 = arith.extui %sign3A_279 : i1 to i32
        %sign3A_281 = arith.subi %sign3A_277, %sign3A_280 : i32
        %ne3A_282 = arith.cmpi ne, %sign3A_274, %sign3A_281 : i32
        %rem3A_283 = arith.remsi %scan3A_251, %jit3A_266 : i32
        %ne3A_284 = arith.constant 0 : i32
        %ne3A_285 = arith.cmpi ne, %rem3A_283, %ne3A_284 : i32
        %and3A_286 = arith.andi %ne3A_282, %ne3A_285 : i1
        %sub3A_287 = arith.constant 1 : i32
        %sub3A_288 = arith.subi %div3A_267, %sub3A_287 : i32
        %select_n3A_289 = arith.select %and3A_286, %sub3A_288, %div3A_267 : i32
        %add3A_290 = arith.addi %mul3A_265, %select_n3A_289 : i32
        %jit3A_291 = arith.constant 8 : i32
        %eq3A_292 = arith.constant 0 : i32
        %eq3A_293 = arith.cmpi eq, %jit3A_291, %eq3A_292 : i32
        %jit3A_294 = arith.constant 1 : i32
        %select_n3A_295 = arith.select %eq3A_293, %jit3A_294, %jit3A_291 : i32
        %rem3A_296 = arith.remsi %scan3A_251, %select_n3A_295 : i32
        %ne3A_297 = arith.constant 0 : i32
        %ne3A_298 = arith.cmpi ne, %rem3A_296, %ne3A_297 : i32
        %lt3A_299 = arith.constant 0 : i32
        %lt3A_300 = arith.cmpi slt, %rem3A_296, %lt3A_299 : i32
        %lt3A_301 = arith.constant 0 : i32
        %lt3A_302 = arith.cmpi slt, %select_n3A_295, %lt3A_301 : i32
        %ne3A_303 = arith.xori %lt3A_300, %lt3A_302 : i1
        %and3A_304 = arith.andi %ne3A_303, %ne3A_298 : i1
        %add3A_305 = arith.addi %rem3A_296, %select_n3A_295 : i32
        %select_n3A_306 = arith.select %and3A_304, %add3A_305, %rem3A_296 : i32
        %mul3A_307 = arith.constant 16 : i32
        %mul3A_308 = arith.muli %select_n3A_306, %mul3A_307 : i32
        %swap3A_309 = arith.index_cast %add3A_290 : i32 to index
        %swap3A_310 = arith.index_cast %mul3A_308 : i32 to index
        %swap3A_311 = tpu.vector_load %arg6[%swap3A_309, %swap3A_310] {strides = array<i32>} : memref<104x128xi32, #tpu.memory_space<vmem>>, vector<16xi32>,
        tpu.vector_store %arg6[%swap3A_309, %swap3A_310], %add3A_263 {strides = array<i32>} : memref<104x128xi32, #tpu.memory_space<vmem>>, vector<16xi32>,
        %scan3A_312 = arith.constant 0 : i32
        %scan3A_313 = arith.constant 3 : i32
        %scan3A_314 = arith.addi %scan3A_136, %scan3A_313 : i32
        %mul3A_315 = arith.constant 16 : i32
        %mul3A_316 = arith.muli %scan3A_314, %mul3A_315 : i32
        %add3A_317 = vector.broadcast %mul3A_316 : i32 to vector<16xi32>
        %add3A_318 = arith.addi %add3A_317, %iota3A : vector<16xi32>
        %mul3A_319 = arith.constant 26 : i32
        %mul3A_320 = vector.broadcast %mul3A_319 : i32 to vector<16xi32>
        %mul3A_321 = arith.muli %add3A_318, %mul3A_320 : vector<16xi32>
        %add3A_322 = vector.broadcast %scan3A_124 : i32 to vector<16xi32>
        %add3A_323 = arith.addi %mul3A_321, %add3A_322 : vector<16xi32>
        %gather3A_324 = tpu.vector_load_idx %arg5[%add3A_323] : memref<13312xi32, #tpu.memory_space<vmem>>[vector<16xi32>], vector<16xi32>,
        %add3A_325 = vector.broadcast %mul3A_127 : i32 to vector<16xi32>
        %add3A_326 = arith.addi %gather3A_324, %add3A_325 : vector<16xi32>
        %mul3A_327 = arith.constant 4 : i32
        %mul3A_328 = arith.muli %scan3A_124, %mul3A_327 : i32
        %jit3A_329 = arith.constant 8 : i32
        %div3A_330 = arith.divsi %scan3A_314, %jit3A_329 : i32
        %sign3A_331 = arith.constant 0 : i32
        %sign3A_332 = arith.cmpi sgt, %scan3A_314, %sign3A_331 : i32
        %sign3A_333 = arith.extui %sign3A_332 : i1 to i32
        %sign3A_334 = arith.constant 0 : i32
        %sign3A_335 = arith.cmpi slt, %scan3A_314, %sign3A_334 : i32
        %sign3A_336 = arith.extui %sign3A_335 : i1 to i32
        %sign3A_337 = arith.subi %sign3A_333, %sign3A_336 : i32
        %sign3A_338 = arith.constant 0 : i32
        %sign3A_339 = arith.cmpi sgt, %jit3A_329, %sign3A_338 : i32
        %sign3A_340 = arith.extui %sign3A_339 : i1 to i32
        %sign3A_341 = arith.constant 0 : i32
        %sign3A_342 = arith.cmpi slt, %jit3A_329, %sign3A_341 : i32
        %sign3A_343 = arith.extui %sign3A_342 : i1 to i32
        %sign3A_344 = arith.subi %sign3A_340, %sign3A_343 : i32
        %ne3A_345 = arith.cmpi ne, %sign3A_337, %sign3A_344 : i32
        %rem3A_346 = arith.remsi %scan3A_314, %jit3A_329 : i32
        %ne3A_347 = arith.constant 0 : i32
        %ne3A_348 = arith.cmpi ne, %rem3A_346, %ne3A_347 : i32
        %and3A_349 = arith.andi %ne3A_345, %ne3A_348 : i1
        %sub3A_350 = arith.constant 1 : i32
        %sub3A_351 = arith.subi %div3A_330, %sub3A_350 : i32
        %select_n3A_352 = arith.select %and3A_349, %sub3A_351, %div3A_330 : i32
        %add3A_353 = arith.addi %mul3A_328, %select_n3A_352 : i32
        %jit3A_354 = arith.constant 8 : i32
        %eq3A_355 = arith.constant 0 : i32
        %eq3A_356 = arith.cmpi eq, %jit3A_354, %eq3A_355 : i32
        %jit3A_357 = arith.constant 1 : i32
        %select_n3A_358 = arith.select %eq3A_356, %jit3A_357, %jit3A_354 : i32
        %rem3A_359 = arith.remsi %scan3A_314, %select_n3A_358 : i32
        %ne3A_360 = arith.constant 0 : i32
        %ne3A_361 = arith.cmpi ne, %rem3A_359, %ne3A_360 : i32
        %lt3A_362 = arith.constant 0 : i32
        %lt3A_363 = arith.cmpi slt, %rem3A_359, %lt3A_362 : i32
        %lt3A_364 = arith.constant 0 : i32
        %lt3A_365 = arith.cmpi slt, %select_n3A_358, %lt3A_364 : i32
        %ne3A_366 = arith.xori %lt3A_363, %lt3A_365 : i1
        %and3A_367 = arith.andi %ne3A_366, %ne3A_361 : i1
        %add3A_368 = arith.addi %rem3A_359, %select_n3A_358 : i32
        %select_n3A_369 = arith.select %and3A_367, %add3A_368, %rem3A_359 : i32
        %mul3A_370 = arith.constant 16 : i32
        %mul3A_371 = arith.muli %select_n3A_369, %mul3A_370 : i32
        %swap3A_372 = arith.index_cast %add3A_353 : i32 to index
        %swap3A_373 = arith.index_cast %mul3A_371 : i32 to index
        %swap3A_374 = tpu.vector_load %arg6[%swap3A_372, %swap3A_373] {strides = array<i32>} : memref<104x128xi32, #tpu.memory_space<vmem>>, vector<16xi32>,
        tpu.vector_store %arg6[%swap3A_372, %swap3A_373], %add3A_326 {strides = array<i32>} : memref<104x128xi32, #tpu.memory_space<vmem>>, vector<16xi32>,
        %scan3A_375 = arith.constant 0 : i32
        scf.yield %scan3A_375 : i32
      }
      %scan3A_134 = arith.constant 32 : i32
      %scan3A_135 = arith.constant 0 : i32
      scf.yield %scan3A_135 : i32
    }
    %scan3A_10 = arith.constant 26 : i32
    %dma_start3A = arith.constant 0 : i32
    %dma_start3A_11 = arith.constant 0 : i32
    %dma_start3A_12 = arith.constant 0 : i32
    %dma_start3A_13 = tpu.memref_slice %arg7[%dma_start3A_11, %dma_start3A_12] : memref<512x32xf32, #tpu.memory_space<vmem>> -> memref<128x32xf32, #tpu.memory_space<vmem>>
    %dma_start3A_14 = arith.constant 0 : i32
    %dma_start3A_15 = tpu.memref_slice %arg6[%dma_start3A, %dma_start3A_14] : memref<104x128xi32, #tpu.memory_space<vmem>> -> memref<1x128xi32, #tpu.memory_space<vmem>>
    %dma_start3A_16 = tpu.memref_squeeze %dma_start3A_15 : memref<1x128xi32, #tpu.memory_space<vmem>> -> memref<128xi32, #tpu.memory_space<vmem>>
    %dma_start3A_17 = arith.constant 0 : i32
    %dma_start3A_18 = arith.constant 0 : i32
    %dma_start3A_19 = tpu.memref_slice %arg3[%dma_start3A_17, %dma_start3A_18] : memref<2600000x32xf32, #tpu.memory_space<hbm>> -> memref<2600000x32xf32, #tpu.memory_space<hbm>>
    tpu.enqueue_indirect_dma source(%dma_start3A_19 : memref<2600000x32xf32, #tpu.memory_space<hbm>>) target(%dma_start3A_13 : memref<128x32xf32, #tpu.memory_space<vmem>>) offsets(%dma_start3A_16 : memref<128xi32, #tpu.memory_space<vmem>>) semaphore(%arg8 : memref<!tpu.dma_semaphore, #tpu.memory_space<semaphore_mem>>)
    %dma_start3A_20 = arith.constant 1 : i32
    %dma_start3A_21 = arith.constant 128 : i32
    %dma_start3A_22 = arith.constant 0 : i32
    %dma_start3A_23 = tpu.memref_slice %arg7[%dma_start3A_21, %dma_start3A_22] : memref<512x32xf32, #tpu.memory_space<vmem>> -> memref<128x32xf32, #tpu.memory_space<vmem>>
    %dma_start3A_24 = arith.constant 0 : i32
    %dma_start3A_25 = tpu.memref_slice %arg6[%dma_start3A_20, %dma_start3A_24] : memref<104x128xi32, #tpu.memory_space<vmem>> -> memref<1x128xi32, #tpu.memory_space<vmem>>
    %dma_start3A_26 = tpu.memref_squeeze %dma_start3A_25 : memref<1x128xi32, #tpu.memory_space<vmem>> -> memref<128xi32, #tpu.memory_space<vmem>>
    %dma_start3A_27 = arith.constant 0 : i32
    %dma_start3A_28 = arith.constant 0 : i32
    %dma_start3A_29 = tpu.memref_slice %arg3[%dma_start3A_27, %dma_start3A_28] : memref<2600000x32xf32, #tpu.memory_space<hbm>> -> memref<2600000x32xf32, #tpu.memory_space<hbm>>
    tpu.enqueue_indirect_dma source(%dma_start3A_29 : memref<2600000x32xf32, #tpu.memory_space<hbm>>) target(%dma_start3A_23 : memref<128x32xf32, #tpu.memory_space<vmem>>) offsets(%dma_start3A_26 : memref<128xi32, #tpu.memory_space<vmem>>) semaphore(%arg8 : memref<!tpu.dma_semaphore, #tpu.memory_space<semaphore_mem>>)
    %dma_start3A_30 = arith.constant 2 : i32
    %dma_start3A_31 = arith.constant 256 : i32
    %dma_start3A_32 = arith.constant 0 : i32
    %dma_start3A_33 = tpu.memref_slice %arg7[%dma_start3A_31, %dma_start3A_32] : memref<512x32xf32, #tpu.memory_space<vmem>> -> memref<128x32xf32, #tpu.memory_space<vmem>>
    %dma_start3A_34 = arith.constant 0 : i32
    %dma_start3A_35 = tpu.memref_slice %arg6[%dma_start3A_30, %dma_start3A_34] : memref<104x128xi32, #tpu.memory_space<vmem>> -> memref<1x128xi32, #tpu.memory_space<vmem>>
    %dma_start3A_36 = tpu.memref_squeeze %dma_start3A_35 : memref<1x128xi32, #tpu.memory_space<vmem>> -> memref<128xi32, #tpu.memory_space<vmem>>
    %dma_start3A_37 = arith.constant 0 : i32
    %dma_start3A_38 = arith.constant 0 : i32
    %dma_start3A_39 = tpu.memref_slice %arg3[%dma_start3A_37, %dma_start3A_38] : memref<2600000x32xf32, #tpu.memory_space<hbm>> -> memref<2600000x32xf32, #tpu.memory_space<hbm>>
    tpu.enqueue_indirect_dma source(%dma_start3A_39 : memref<2600000x32xf32, #tpu.memory_space<hbm>>) target(%dma_start3A_33 : memref<128x32xf32, #tpu.memory_space<vmem>>) offsets(%dma_start3A_36 : memref<128xi32, #tpu.memory_space<vmem>>) semaphore(%arg8 : memref<!tpu.dma_semaphore, #tpu.memory_space<semaphore_mem>>)
    %dma_start3A_40 = arith.constant 3 : i32
    %dma_start3A_41 = arith.constant 384 : i32
    %dma_start3A_42 = arith.constant 0 : i32
    %dma_start3A_43 = tpu.memref_slice %arg7[%dma_start3A_41, %dma_start3A_42] : memref<512x32xf32, #tpu.memory_space<vmem>> -> memref<128x32xf32, #tpu.memory_space<vmem>>
    %dma_start3A_44 = arith.constant 0 : i32
    %dma_start3A_45 = tpu.memref_slice %arg6[%dma_start3A_40, %dma_start3A_44] : memref<104x128xi32, #tpu.memory_space<vmem>> -> memref<1x128xi32, #tpu.memory_space<vmem>>
    %dma_start3A_46 = tpu.memref_squeeze %dma_start3A_45 : memref<1x128xi32, #tpu.memory_space<vmem>> -> memref<128xi32, #tpu.memory_space<vmem>>
    %dma_start3A_47 = arith.constant 0 : i32
    %dma_start3A_48 = arith.constant 0 : i32
    %dma_start3A_49 = tpu.memref_slice %arg3[%dma_start3A_47, %dma_start3A_48] : memref<2600000x32xf32, #tpu.memory_space<hbm>> -> memref<2600000x32xf32, #tpu.memory_space<hbm>>
    tpu.enqueue_indirect_dma source(%dma_start3A_49 : memref<2600000x32xf32, #tpu.memory_space<hbm>>) target(%dma_start3A_43 : memref<128x32xf32, #tpu.memory_space<vmem>>) offsets(%dma_start3A_46 : memref<128xi32, #tpu.memory_space<vmem>>) semaphore(%arg8 : memref<!tpu.dma_semaphore, #tpu.memory_space<semaphore_mem>>)
    %dma_wait3A = arith.constant 0 : i32
    %dma_wait3A_50 = arith.constant 0 : i32
    %dma_wait3A_51 = arith.constant 0 : i32
    %dma_wait3A_52 = tpu.memref_slice %arg7[%dma_wait3A_50, %dma_wait3A_51] : memref<512x32xf32, #tpu.memory_space<vmem>> -> memref<128x32xf32, #tpu.memory_space<vmem>>
    %dma_wait3A_53 = arith.constant 0 : i32
    %dma_wait3A_54 = tpu.memref_slice %arg6[%dma_wait3A, %dma_wait3A_53] : memref<104x128xi32, #tpu.memory_space<vmem>> -> memref<1x128xi32, #tpu.memory_space<vmem>>
    %dma_wait3A_55 = tpu.memref_squeeze %dma_wait3A_54 : memref<1x128xi32, #tpu.memory_space<vmem>> -> memref<128xi32, #tpu.memory_space<vmem>>
    %dma_wait3A_56 = arith.constant 0 : i32
    %dma_wait3A_57 = arith.constant 0 : i32
    %dma_wait3A_58 = tpu.memref_slice %arg3[%dma_wait3A_56, %dma_wait3A_57] : memref<2600000x32xf32, #tpu.memory_space<hbm>> -> memref<2600000x32xf32, #tpu.memory_space<hbm>>
    tpu.wait_indirect_dma semaphore(%arg8 : memref<!tpu.dma_semaphore, #tpu.memory_space<semaphore_mem>>) src(%dma_wait3A_58 : memref<2600000x32xf32, #tpu.memory_space<hbm>>) dst(%dma_wait3A_52 : memref<128x32xf32, #tpu.memory_space<vmem>>)
    %dma_wait3A_59 = arith.constant 1 : i32
    %dma_wait3A_60 = arith.constant 128 : i32
    %dma_wait3A_61 = arith.constant 0 : i32
    %dma_wait3A_62 = tpu.memref_slice %arg7[%dma_wait3A_60, %dma_wait3A_61] : memref<512x32xf32, #tpu.memory_space<vmem>> -> memref<128x32xf32, #tpu.memory_space<vmem>>
    %dma_wait3A_63 = arith.constant 0 : i32
    %dma_wait3A_64 = tpu.memref_slice %arg6[%dma_wait3A_59, %dma_wait3A_63] : memref<104x128xi32, #tpu.memory_space<vmem>> -> memref<1x128xi32, #tpu.memory_space<vmem>>
    %dma_wait3A_65 = tpu.memref_squeeze %dma_wait3A_64 : memref<1x128xi32, #tpu.memory_space<vmem>> -> memref<128xi32, #tpu.memory_space<vmem>>
    %dma_wait3A_66 = arith.constant 0 : i32
    %dma_wait3A_67 = arith.constant 0 : i32
    %dma_wait3A_68 = tpu.memref_slice %arg3[%dma_wait3A_66, %dma_wait3A_67] : memref<2600000x32xf32, #tpu.memory_space<hbm>> -> memref<2600000x32xf32, #tpu.memory_space<hbm>>
    tpu.wait_indirect_dma semaphore(%arg8 : memref<!tpu.dma_semaphore, #tpu.memory_space<semaphore_mem>>) src(%dma_wait3A_68 : memref<2600000x32xf32, #tpu.memory_space<hbm>>) dst(%dma_wait3A_62 : memref<128x32xf32, #tpu.memory_space<vmem>>)
    %dma_wait3A_69 = arith.constant 2 : i32
    %dma_wait3A_70 = arith.constant 256 : i32
    %dma_wait3A_71 = arith.constant 0 : i32
    %dma_wait3A_72 = tpu.memref_slice %arg7[%dma_wait3A_70, %dma_wait3A_71] : memref<512x32xf32, #tpu.memory_space<vmem>> -> memref<128x32xf32, #tpu.memory_space<vmem>>
    %dma_wait3A_73 = arith.constant 0 : i32
    %dma_wait3A_74 = tpu.memref_slice %arg6[%dma_wait3A_69, %dma_wait3A_73] : memref<104x128xi32, #tpu.memory_space<vmem>> -> memref<1x128xi32, #tpu.memory_space<vmem>>
    %dma_wait3A_75 = tpu.memref_squeeze %dma_wait3A_74 : memref<1x128xi32, #tpu.memory_space<vmem>> -> memref<128xi32, #tpu.memory_space<vmem>>
    %dma_wait3A_76 = arith.constant 0 : i32
    %dma_wait3A_77 = arith.constant 0 : i32
    %dma_wait3A_78 = tpu.memref_slice %arg3[%dma_wait3A_76, %dma_wait3A_77] : memref<2600000x32xf32, #tpu.memory_space<hbm>> -> memref<2600000x32xf32, #tpu.memory_space<hbm>>
    tpu.wait_indirect_dma semaphore(%arg8 : memref<!tpu.dma_semaphore, #tpu.memory_space<semaphore_mem>>) src(%dma_wait3A_78 : memref<2600000x32xf32, #tpu.memory_space<hbm>>) dst(%dma_wait3A_72 : memref<128x32xf32, #tpu.memory_space<vmem>>)
    %dma_wait3A_79 = arith.constant 3 : i32
    %dma_wait3A_80 = arith.constant 384 : i32
    %dma_wait3A_81 = arith.constant 0 : i32
    %dma_wait3A_82 = tpu.memref_slice %arg7[%dma_wait3A_80, %dma_wait3A_81] : memref<512x32xf32, #tpu.memory_space<vmem>> -> memref<128x32xf32, #tpu.memory_space<vmem>>
    %dma_wait3A_83 = arith.constant 0 : i32
    %dma_wait3A_84 = tpu.memref_slice %arg6[%dma_wait3A_79, %dma_wait3A_83] : memref<104x128xi32, #tpu.memory_space<vmem>> -> memref<1x128xi32, #tpu.memory_space<vmem>>
    %dma_wait3A_85 = tpu.memref_squeeze %dma_wait3A_84 : memref<1x128xi32, #tpu.memory_space<vmem>> -> memref<128xi32, #tpu.memory_space<vmem>>
    %dma_wait3A_86 = arith.constant 0 : i32
    %dma_wait3A_87 = arith.constant 0 : i32
    %dma_wait3A_88 = tpu.memref_slice %arg3[%dma_wait3A_86, %dma_wait3A_87] : memref<2600000x32xf32, #tpu.memory_space<hbm>> -> memref<2600000x32xf32, #tpu.memory_space<hbm>>
    tpu.wait_indirect_dma semaphore(%arg8 : memref<!tpu.dma_semaphore, #tpu.memory_space<semaphore_mem>>) src(%dma_wait3A_88 : memref<2600000x32xf32, #tpu.memory_space<hbm>>) dst(%dma_wait3A_82 : memref<128x32xf32, #tpu.memory_space<vmem>>)
    %scan3A_89 = arith.constant 0 : i32
    %scan3A_90 = arith.constant 1 : i32
    %scan3A_91 = arith.constant 25 : i32
    %scan3A_92 = arith.addi %scan3A_90, %scan3A_91 : i32
    %scan3A_93 = arith.constant 1 : i32
    %scan3A_94 = scf.for %scan3A_124 = %scan3A_90 to %scan3A_92 step %scan3A_93 iter_args(%scan3A_125 = %scan3A_89) -> (i32)  : i32 {
      %mul3A_126 = arith.constant 4 : i32
      %mul3A_127 = arith.muli %scan3A_124, %mul3A_126 : i32
      %add3A_128 = arith.constant 0 : i32
      %add3A_129 = arith.addi %mul3A_127, %add3A_128 : i32
      %dma_start3A_130 = arith.constant 0 : i32
      %dma_start3A_131 = arith.constant 0 : i32
      %dma_start3A_132 = tpu.memref_slice %arg7[%dma_start3A_130, %dma_start3A_131] : memref<512x32xf32, #tpu.memory_space<vmem>> -> memref<128x32xf32, #tpu.memory_space<vmem>>
      %dma_start3A_133 = arith.constant 0 : i32
      %dma_start3A_134 = tpu.memref_slice %arg6[%add3A_129, %dma_start3A_133] : memref<104x128xi32, #tpu.memory_space<vmem>> -> memref<1x128xi32, #tpu.memory_space<vmem>>
      %dma_start3A_135 = tpu.memref_squeeze %dma_start3A_134 : memref<1x128xi32, #tpu.memory_space<vmem>> -> memref<128xi32, #tpu.memory_space<vmem>>
      %dma_start3A_136 = arith.constant 0 : i32
      %dma_start3A_137 = arith.constant 0 : i32
      %dma_start3A_138 = tpu.memref_slice %arg3[%dma_start3A_136, %dma_start3A_137] : memref<2600000x32xf32, #tpu.memory_space<hbm>> -> memref<2600000x32xf32, #tpu.memory_space<hbm>>
      tpu.enqueue_indirect_dma source(%dma_start3A_138 : memref<2600000x32xf32, #tpu.memory_space<hbm>>) target(%dma_start3A_132 : memref<128x32xf32, #tpu.memory_space<vmem>>) offsets(%dma_start3A_135 : memref<128xi32, #tpu.memory_space<vmem>>) semaphore(%arg8 : memref<!tpu.dma_semaphore, #tpu.memory_space<semaphore_mem>>) {add = true}
      %scan3A_139 = arith.constant 0 : i32
      scf.yield %scan3A_139 : i32
    }
    %scan3A_95 = arith.constant 25 : i32
    %scan3A_96 = arith.constant 0 : i32
    %scan3A_97 = arith.constant 1 : i32
    %scan3A_98 = arith.constant 25 : i32
    %scan3A_99 = arith.addi %scan3A_97, %scan3A_98 : i32
    %scan3A_100 = arith.constant 1 : i32
    %scan3A_101 = scf.for %scan3A_124 = %scan3A_97 to %scan3A_99 step %scan3A_100 iter_args(%scan3A_125 = %scan3A_96) -> (i32)  : i32 {
      %mul3A_126 = arith.constant 4 : i32
      %mul3A_127 = arith.muli %scan3A_124, %mul3A_126 : i32
      %add3A_128 = arith.constant 1 : i32
      %add3A_129 = arith.addi %mul3A_127, %add3A_128 : i32
      %dma_start3A_130 = arith.constant 128 : i32
      %dma_start3A_131 = arith.constant 0 : i32
      %dma_start3A_132 = tpu.memref_slice %arg7[%dma_start3A_130, %dma_start3A_131] : memref<512x32xf32, #tpu.memory_space<vmem>> -> memref<128x32xf32, #tpu.memory_space<vmem>>
      %dma_start3A_133 = arith.constant 0 : i32
      %dma_start3A_134 = tpu.memref_slice %arg6[%add3A_129, %dma_start3A_133] : memref<104x128xi32, #tpu.memory_space<vmem>> -> memref<1x128xi32, #tpu.memory_space<vmem>>
      %dma_start3A_135 = tpu.memref_squeeze %dma_start3A_134 : memref<1x128xi32, #tpu.memory_space<vmem>> -> memref<128xi32, #tpu.memory_space<vmem>>
      %dma_start3A_136 = arith.constant 0 : i32
      %dma_start3A_137 = arith.constant 0 : i32
      %dma_start3A_138 = tpu.memref_slice %arg3[%dma_start3A_136, %dma_start3A_137] : memref<2600000x32xf32, #tpu.memory_space<hbm>> -> memref<2600000x32xf32, #tpu.memory_space<hbm>>
      tpu.enqueue_indirect_dma source(%dma_start3A_138 : memref<2600000x32xf32, #tpu.memory_space<hbm>>) target(%dma_start3A_132 : memref<128x32xf32, #tpu.memory_space<vmem>>) offsets(%dma_start3A_135 : memref<128xi32, #tpu.memory_space<vmem>>) semaphore(%arg8 : memref<!tpu.dma_semaphore, #tpu.memory_space<semaphore_mem>>) {add = true}
      %scan3A_139 = arith.constant 0 : i32
      scf.yield %scan3A_139 : i32
    }
    %scan3A_102 = arith.constant 25 : i32
    %scan3A_103 = arith.constant 0 : i32
    %scan3A_104 = arith.constant 1 : i32
    %scan3A_105 = arith.constant 25 : i32
    %scan3A_106 = arith.addi %scan3A_104, %scan3A_105 : i32
    %scan3A_107 = arith.constant 1 : i32
    %scan3A_108 = scf.for %scan3A_124 = %scan3A_104 to %scan3A_106 step %scan3A_107 iter_args(%scan3A_125 = %scan3A_103) -> (i32)  : i32 {
      %mul3A_126 = arith.constant 4 : i32
      %mul3A_127 = arith.muli %scan3A_124, %mul3A_126 : i32
      %add3A_128 = arith.constant 2 : i32
      %add3A_129 = arith.addi %mul3A_127, %add3A_128 : i32
      %dma_start3A_130 = arith.constant 256 : i32
      %dma_start3A_131 = arith.constant 0 : i32
      %dma_start3A_132 = tpu.memref_slice %arg7[%dma_start3A_130, %dma_start3A_131] : memref<512x32xf32, #tpu.memory_space<vmem>> -> memref<128x32xf32, #tpu.memory_space<vmem>>
      %dma_start3A_133 = arith.constant 0 : i32
      %dma_start3A_134 = tpu.memref_slice %arg6[%add3A_129, %dma_start3A_133] : memref<104x128xi32, #tpu.memory_space<vmem>> -> memref<1x128xi32, #tpu.memory_space<vmem>>
      %dma_start3A_135 = tpu.memref_squeeze %dma_start3A_134 : memref<1x128xi32, #tpu.memory_space<vmem>> -> memref<128xi32, #tpu.memory_space<vmem>>
      %dma_start3A_136 = arith.constant 0 : i32
      %dma_start3A_137 = arith.constant 0 : i32
      %dma_start3A_138 = tpu.memref_slice %arg3[%dma_start3A_136, %dma_start3A_137] : memref<2600000x32xf32, #tpu.memory_space<hbm>> -> memref<2600000x32xf32, #tpu.memory_space<hbm>>
      tpu.enqueue_indirect_dma source(%dma_start3A_138 : memref<2600000x32xf32, #tpu.memory_space<hbm>>) target(%dma_start3A_132 : memref<128x32xf32, #tpu.memory_space<vmem>>) offsets(%dma_start3A_135 : memref<128xi32, #tpu.memory_space<vmem>>) semaphore(%arg8 : memref<!tpu.dma_semaphore, #tpu.memory_space<semaphore_mem>>) {add = true}
      %scan3A_139 = arith.constant 0 : i32
      scf.yield %scan3A_139 : i32
    }
    %scan3A_109 = arith.constant 25 : i32
    %scan3A_110 = arith.constant 0 : i32
    %scan3A_111 = arith.constant 1 : i32
    %scan3A_112 = arith.constant 25 : i32
    %scan3A_113 = arith.addi %scan3A_111, %scan3A_112 : i32
    %scan3A_114 = arith.constant 1 : i32
    %scan3A_115 = scf.for %scan3A_124 = %scan3A_111 to %scan3A_113 step %scan3A_114 iter_args(%scan3A_125 = %scan3A_110) -> (i32)  : i32 {
      %mul3A_126 = arith.constant 4 : i32
      %mul3A_127 = arith.muli %scan3A_124, %mul3A_126 : i32
      %add3A_128 = arith.constant 3 : i32
      %add3A_129 = arith.addi %mul3A_127, %add3A_128 : i32
      %dma_start3A_130 = arith.constant 384 : i32
      %dma_start3A_131 = arith.constant 0 : i32
      %dma_start3A_132 = tpu.memref_slice %arg7[%dma_start3A_130, %dma_start3A_131] : memref<512x32xf32, #tpu.memory_space<vmem>> -> memref<128x32xf32, #tpu.memory_space<vmem>>
      %dma_start3A_133 = arith.constant 0 : i32
      %dma_start3A_134 = tpu.memref_slice %arg6[%add3A_129, %dma_start3A_133] : memref<104x128xi32, #tpu.memory_space<vmem>> -> memref<1x128xi32, #tpu.memory_space<vmem>>
      %dma_start3A_135 = tpu.memref_squeeze %dma_start3A_134 : memref<1x128xi32, #tpu.memory_space<vmem>> -> memref<128xi32, #tpu.memory_space<vmem>>
      %dma_start3A_136 = arith.constant 0 : i32
      %dma_start3A_137 = arith.constant 0 : i32
      %dma_start3A_138 = tpu.memref_slice %arg3[%dma_start3A_136, %dma_start3A_137] : memref<2600000x32xf32, #tpu.memory_space<hbm>> -> memref<2600000x32xf32, #tpu.memory_space<hbm>>
      tpu.enqueue_indirect_dma source(%dma_start3A_138 : memref<2600000x32xf32, #tpu.memory_space<hbm>>) target(%dma_start3A_132 : memref<128x32xf32, #tpu.memory_space<vmem>>) offsets(%dma_start3A_135 : memref<128xi32, #tpu.memory_space<vmem>>) semaphore(%arg8 : memref<!tpu.dma_semaphore, #tpu.memory_space<semaphore_mem>>) {add = true}
      %scan3A_139 = arith.constant 0 : i32
      scf.yield %scan3A_139 : i32
    }
    %scan3A_116 = arith.constant 25 : i32
    %scan3A_117 = arith.constant 0 : i32
    %scan3A_118 = arith.constant 0 : i32
    %scan3A_119 = arith.constant 100 : i32
    %scan3A_120 = arith.addi %scan3A_118, %scan3A_119 : i32
    %scan3A_121 = arith.constant 1 : i32
    %scan3A_122 = scf.for %scan3A_124 = %scan3A_118 to %scan3A_120 step %scan3A_121 iter_args(%scan3A_125 = %scan3A_117) -> (i32)  : i32 {
      %dma_wait3A_126 = arith.constant 0 : i32
      %dma_wait3A_127 = arith.constant 0 : i32
      %dma_wait3A_128 = arith.constant 0 : i32
      %dma_wait3A_129 = tpu.memref_slice %arg7[%dma_wait3A_127, %dma_wait3A_128] : memref<512x32xf32, #tpu.memory_space<vmem>> -> memref<128x32xf32, #tpu.memory_space<vmem>>
      %dma_wait3A_130 = arith.constant 0 : i32
      %dma_wait3A_131 = tpu.memref_slice %arg6[%dma_wait3A_126, %dma_wait3A_130] : memref<104x128xi32, #tpu.memory_space<vmem>> -> memref<1x128xi32, #tpu.memory_space<vmem>>
      %dma_wait3A_132 = tpu.memref_squeeze %dma_wait3A_131 : memref<1x128xi32, #tpu.memory_space<vmem>> -> memref<128xi32, #tpu.memory_space<vmem>>
      %dma_wait3A_133 = arith.constant 0 : i32
      %dma_wait3A_134 = arith.constant 0 : i32
      %dma_wait3A_135 = tpu.memref_slice %arg3[%dma_wait3A_133, %dma_wait3A_134] : memref<2600000x32xf32, #tpu.memory_space<hbm>> -> memref<2600000x32xf32, #tpu.memory_space<hbm>>
      tpu.wait_indirect_dma semaphore(%arg8 : memref<!tpu.dma_semaphore, #tpu.memory_space<semaphore_mem>>) src(%dma_wait3A_135 : memref<2600000x32xf32, #tpu.memory_space<hbm>>) dst(%dma_wait3A_129 : memref<128x32xf32, #tpu.memory_space<vmem>>)
      %scan3A_136 = arith.constant 0 : i32
      scf.yield %scan3A_136 : i32
    }
    %scan3A_123 = arith.constant 100 : i32
    "tpu.region"() ({
      %run_scoped3A = tpu.sem_alloc : memref<!tpu.dma_semaphore, #tpu.memory_space<semaphore_mem>>
      %dma_start3A_124 = arith.constant 0 : i32
      %dma_start3A_125 = tpu.memref_slice %arg4[%mul3A_2, %dma_start3A_124] : memref<16384x32xf32, #tpu.memory_space<hbm>> -> memref<512x32xf32, #tpu.memory_space<hbm>>
      %dma_start3A_126 = arith.constant 0 : i32
      %dma_start3A_127 = tpu.memref_slice %arg4[%mul3A_2, %dma_start3A_126] : memref<16384x32xf32, #tpu.memory_space<hbm>> -> memref<512x32xf32, #tpu.memory_space<hbm>>
      tpu.enqueue_dma source(%arg7 : memref<512x32xf32, #tpu.memory_space<vmem>>) target(%dma_start3A_127 : memref<512x32xf32, #tpu.memory_space<hbm>>) target_semaphore(%run_scoped3A : memref<!tpu.dma_semaphore, #tpu.memory_space<semaphore_mem>>)
      %dma_wait3A_128 = arith.constant 0 : i32
      %dma_wait3A_129 = tpu.memref_slice %arg4[%mul3A_2, %dma_wait3A_128] : memref<16384x32xf32, #tpu.memory_space<hbm>> -> memref<512x32xf32, #tpu.memory_space<hbm>>
      %dma_wait3A_130 = arith.constant 0 : i32
      %dma_wait3A_131 = tpu.memref_slice %arg4[%mul3A_2, %dma_wait3A_130] : memref<16384x32xf32, #tpu.memory_space<hbm>> -> memref<512x32xf32, #tpu.memory_space<hbm>>
      tpu.wait_dma2 semaphore(%run_scoped3A : memref<!tpu.dma_semaphore, #tpu.memory_space<semaphore_mem>>) src(%arg7 : memref<512x32xf32, #tpu.memory_space<vmem>>) dst(%dma_wait3A_131 : memref<512x32xf32, #tpu.memory_space<hbm>>)
      tpu.yield
    }) : () -> ()
    return
  }
}

</mosaic_0001>

<sc_bundles>
// kernel: kernel.3.cloned.1.call-start
scs
__scs_entry_jumppad:
0x0: {  	(pc) =	sbr.rel $0x88, $3  }
0x1: {  	(tag) =	ssettag $0x0;
	lr =	simm.s32 $0x1  }
0x2: {  	[smem:$0x3F9F] =	sst lr;
	_ =	strace $0xD0000000  }
0x3: {  	_ = 	snop  }
0x4: {  	_ = 	snop  }
0x5: {  	_ = 	snop  }
0x6: {  	_ = 	snop  }
0x7: {  	_ = 	snop  }
__scs_overlays_trampoline_lowered:
0x8: {  	[smem:$0x3FAE] =	sst s0  }
0x9: {  	[smem:$0x3FAF] =	sst s1  }
0xa: {  	[smem:$0x3FB0] =	sst s2  }
0xb: {  	[smem:$0x3FB1] =	sst s3  }
0xc: {  	[smem:$0x3FB2] =	sst s4  }
0xd: {  	[smem:$0x3FB3] =	sst s5  }
0xe: {  	[smem:$0x3FB4] =	sst s6  }
0xf: {  	[smem:$0x3FB5] =	sst s7  }
0x10: {  	[smem:$0x3FB6] =	sst s8  }
0x11: {  	[smem:$0x3FB7] =	sst s9;
	s0 =	simm.s32 @!p0 $0x0  }
0x12: {  	s1 =	sld [smem:$0x3F9D];
	s0 =	simm.s32 @p0 $0x1  }
0x13: {  	[smem:$0x3FB8] =	sst s0;
	s0 =	simm.s32 @!p1 $0x0  }
0x14: {  	s2 =	sld [smem:$0x3F9C];
	s0 =	simm.s32 @p1 $0x1  }
0x15: {  	[smem:$0x3FB9] =	sst s0;
	s0 =	simm.s32 @!p2 $0x0  }
0x16: {  	s3 =	sld [smem:$0x3FDB];
	s0 =	simm.s32 @p2 $0x1  }
0x17: {  	s4 =	simm.s32 $0x1BF5;
	[smem:$0x3FBB] =	sst s0  }
0x18: {  	s0 =	sld [smem:$0x3F9E];
	_ =	swait.ge [sflag:s4], $0x0  }
0x19: {  	s7 =	sld [smem:$0x3F9F]  }
0x1a: {  	s8 =	sadd.s32 $0xFFFFE003, lr  }
0x1b: {  	s9 =	sadd.s32 $0xFFFFFEF7, lr;
	s5 =	simm.s32 $0xFFFFFFFF;
	p2 =	slt.u32 s8, $0xFFFFF086  }
0x1c: {  	p1 =	slt.u32 s9, $0xF7A;
	s5 =	simm.s32 @!p2 $0x0  }
0x1d: {  	s5 =	simm.s32 @p1 $0x1;
	p0 =	seq.s32 s7, s2  }
0x1e: {  	s7 =	smul.u32 @!p0 $0xF7A, s2;
	p2 =	seq.s32 @!p0 s5, $0x0  }
0x1f: {  	s9 =	smul.u32 $0xF7A, s1;
	s8 =	simm.s32 @!p0 $0x1BF5;
	p2 =	por !p2, p0  }
0x20: {  	[sflag:s8] =	ssyncset.s32 @!p0 $0xFFFFF086;
	s6 =	sadd.s32 @!p0 s3, s7;
	s7 =	simm.s32 @!p0 $0x108  }
0x21: {  	s3 =	sadd.s32 s3, s9;
	s6 =	sadd.s32 @!p0 $0x88, s6;
	s7 =	simm.s32 @p2 $0x1082  }
0x22: {  	[simem:s7], [sflag:s8] =	dma.local @!p0 [hbm:s6], $0xF7A  }
0x23: {  	s9 =	sor.u32 $0xD0000000, s2;
	s6 =	simm.s32 $0x108;
	_ =	swait.ge @!p0 [sflag:s8], $0x0  }
0x24: {  	s3 =	sadd.s32 $0x88, s3;
	s6 =	simm.s32 @!p1 $0x1082;
	[sflag:s4] =	ssyncset.s32 $0xFFFFF086  }
0x25: {  	[simem:s6], [sflag:s4] =	dma.local [hbm:s3], $0xF7A  }
0x26: {  	[smem:$0x3F9F] =	sst s1;
	(tag) =	ssettag s2;
	_ =	strace s9  }
0x27: {  	s1 =	sld [smem:$0x3FAF]  }
0x28: {  	s2 =	sld [smem:$0x3FB0]  }
0x29: {  	s4 =	sld [smem:$0x3FB2]  }
0x2a: {  	p0 =	seq.s32 s5, $0x0;
	s5 =	sld [smem:$0x3FB3]  }
0x2b: {  	s6 =	sld [smem:$0x3FB4]  }
0x2c: {  	s7 =	sld [smem:$0x3FB5]  }
0x2d: {  	s3 =	simm.s32 $0x108;
	s8 =	sld [smem:$0x3FB6]  }
0x2e: {  	s3 =	simm.s32 @!p0 $0x1082;
	s9 =	sld [smem:$0x3FB7]  }
0x2f: {  	lr =	sadd.s32 s0, s3;
	s0 =	sld [smem:$0x3FAE]  }
0x30: {  	s3 =	sld [smem:$0x3FB1]  }
0x31: {  	[smem:$0x3FBA] =	sst s10  }
0x32: {  	s10 =	sld [smem:$0x3FB8];
	_ =	sdelay $0x3  }
0x33: {  	p0 =	seq.s32 s10, $0x1;
	s10 =	sld [smem:$0x3FBA];
	_ =	sdelay $0x3  }
0x34: {  	[smem:$0x3FBA] =	sst s10  }
0x35: {  	s10 =	sld [smem:$0x3FB9];
	_ =	sdelay $0x3  }
0x36: {  	p1 =	seq.s32 s10, $0x1;
	s10 =	sld [smem:$0x3FBA];
	_ =	sdelay $0x3  }
0x37: {  	[smem:$0x3FBA] =	sst s10  }
0x38: {  	s10 =	sld [smem:$0x3FBB]  }
0x39: {  	_ = 	snop;
	(pc) =	sbr.ind lr, $3  }
0x3a: {  	_ = 	snop  }
0x3b: {  	_ = 	snop  }
0x3c: {  	p2 =	seq.s32 s10, $0x1;
	s10 =	sld [smem:$0x3FBA]  }
0x3d: {  	_ =	shalt  }
0x3e: {  	_ =	shalt  }
0x3f: {  	_ =	shalt  }
0x40: {  	_ =	shalt  }
0x41: {  	_ =	shalt  }
0x42: {  	_ =	shalt  }
0x43: {  	_ =	shalt  }
0x44: {  	_ =	shalt  }
0x45: {  	_ =	shalt  }
0x46: {  	_ =	shalt  }
0x47: {  	_ =	shalt  }
0x48: {  	_ =	shalt  }
0x49: {  	_ =	shalt  }
0x4a: {  	_ =	shalt  }
0x4b: {  	_ =	shalt  }
0x4c: {  	_ =	shalt  }
0x4d: {  	_ =	shalt  }
0x4e: {  	_ =	shalt  }
0x4f: {  	_ =	shalt  }
0x50: {  	_ =	shalt  }
0x51: {  	_ =	shalt  }
0x52: {  	_ =	shalt  }
0x53: {  	_ =	shalt  }
0x54: {  	_ =	shalt  }
0x55: {  	_ =	shalt  }
0x56: {  	_ =	shalt  }
0x57: {  	_ =	shalt  }
0x58: {  	_ =	shalt  }
0x59: {  	_ =	shalt  }
0x5a: {  	_ =	shalt  }
0x5b: {  	_ =	shalt  }
0x5c: {  	_ =	shalt  }
0x5d: {  	_ =	shalt  }
0x5e: {  	_ =	shalt  }
0x5f: {  	_ =	shalt  }
0x60: {  	_ =	shalt  }
0x61: {  	_ =	shalt  }
0x62: {  	_ =	shalt  }
0x63: {  	_ =	shalt  }
0x64: {  	_ =	shalt  }
0x65: {  	_ =	shalt  }
0x66: {  	_ =	shalt  }
0x67: {  	_ =	shalt  }
0x68: {  	_ =	shalt  }
0x69: {  	_ =	shalt  }
0x6a: {  	_ =	shalt  }
0x6b: {  	_ =	shalt  }
0x6c: {  	_ =	shalt  }
0x6d: {  	_ =	shalt  }
0x6e: {  	_ =	shalt  }
0x6f: {  	_ =	shalt  }
0x70: {  	_ =	shalt  }
0x71: {  	_ =	shalt  }
0x72: {  	_ =	shalt  }
0x73: {  	_ =	shalt  }
0x74: {  	_ =	shalt  }
0x75: {  	_ =	shalt  }
0x76: {  	_ =	shalt  }
0x77: {  	_ =	shalt  }
0x78: {  	_ =	shalt  }
0x79: {  	_ =	shalt  }
0x7a: {  	_ =	shalt  }
0x7b: {  	_ =	shalt  }
0x7c: {  	_ =	shalt  }
0x7d: {  	_ =	shalt  }
0x7e: {  	_ =	shalt  }
0x7f: {  	_ =	shalt  }
0x80: {  	_ =	shalt  }
0x81: {  	_ =	shalt  }
0x82: {  	_ =	shalt  }
0x83: {  	_ =	shalt  }
0x84: {  	_ =	shalt  }
0x85: {  	_ =	shalt  }
0x86: {  	_ =	shalt  }
0x87: {  	_ =	shalt  }
.Lfunc_end0:
.L_simem_size_0:
called_computation_lowered:
.L_overlay_start_0:
0x88: {  	s2 =	sld [smem:$0x3FD9]  }
0x89: {  	s3 =	sld [smem:$0x3FFE];
	_ =	sdelay $0x1  }
0x8a: {  	s1 =	srdreg.scid  }
0x8b: {  	s0 =	sand.u32 $0x1, s1  }
0x8c: {  	s17 =	sshll.u32 s0, $0xA;
	s2 =	sadd.s32 s3, s2  }
0x8d: {  	s2 =	sadd.s32 s2, s17  }
0x8e: {  	[smem:$0x3FC6] =	sst s2  }
0x8f: {  	_ = 	snop  }
0x90: {  	s2 =	sld [smem:$0x3FD0];
	(tm) =	ssettm $0x1  }
0x91: {  	s18 =	sld [smem:$0x3FFB];
	_ =	sdelay $0x3  }
0x92: {  	_ =	strace s18  }
0x93: {  	s3 =	sld [smem:$0x3FFC];
	_ =	sdelay $0x3  }
0x94: {  	_ =	strace s3  }
0x95: {  	s3 =	sld [smem:$0x3FFD];
	_ =	sdelay $0x3  }
0x96: {  	_ =	strace s3  }
0x97: {  	_ =	strace $0x8FFFFFFF  }
0x98: {  	s19 =	sld [smem:$0x3FDB];
	_ =	sdelay $0x1  }
0x99: {  	s4 =	simm.s32 $_scs_section_size  }
0x9a: {  	s5 =	simm.s32 $_size__tile_overlayer_lowered;
	s6 =	simm.s32 $_tile_overlayer_lowered  }
0x9b: {  	s22 =	simm.s32 $0x1BFF;
	s21 =	sshll.u32 s6, $0x1;
	s3 =	sadd.s32 s4, s19  }
0x9c: {  	s7 =	simm.s32 $0x0;
	s20 =	sshll.u32 s5, $0x1;
	s5 =	sadd.s32 s21, s3  }
0x9d: {  	[timem:s7], [sflag:s22] =	dma.local [hbm:s5], s20  }
0x9e: {  	_ =	swait.ge [sflag:s22], s20  }
0x9f: {  	s4 =	ssub.s32 $0x0, s20;
	[sflag:s22] =	ssyncset.done $0x0  }
0xa0: {  	[sflag:s22] =	ssyncadd.s32 s4;
	_ =	sdelay $0x1  }
0xa1: {  	s23 =	simm.s32 $0x1B8B  }
0xa2: {  	_ =	swait.ge [sflag:s23], $0x1  }
0xa3: {  	[sflag:s23] =	ssyncset.done $0x0  }
0xa4: {  	s25 =	simm.s32 $0x1B8E;
	s24 =	sld [smem:$0x3FFE];
	[sflag:s23] =	ssyncadd.s32 $0xFFFFFFFF  }
0xa5: {  	s26 =	simm.s32 $execute0_lowered;
	[smem:$0x3FD2] =	sst s25  }
0xa6: {  	s5 =	sshll.u32 s26, $0x1;
	_ =	strace $0x80000046;
	[dreg:$0x1] =	wrdreg $0xFFFFFFFF  }
0xa7: {  	s28 =	simm.s32 $_size_execute0_lowered;
	s3 =	sadd.s32 s3, s5;
	[dreg:$0x0] =	wrdreg $0x0  }
0xa8: {  	s5 =	sshll.u32 s28, $0x1;
	[dreg:$0x2] =	wrdreg s3  }
0xa9: {  	[dreg:$0x3] =	wrdreg s5  }
0xaa: {  	[dreg:$0x4] =	wrdreg $0xC0  }
0xab: {  	_ =	task [dreg:s7], $0x5FFFF  }
0xac: {  	[dreg:$0x1] =	wrdreg $0xFFFFFFFF  }
0xad: {  	[dreg:$0x0] =	wrdreg $0x60  }
0xae: {  	[dreg:$0x2] =	wrdreg s24  }
0xaf: {  	[dreg:$0x3] =	wrdreg s2  }
0xb0: {  	[dreg:$0x4] =	wrdreg $0x9  }
0xb1: {  	_ =	task.clear_ibuf [dreg:s7], $0x5FFFF;
	_ =	strace $0x90000046  }
0xb2: {  	s29 =	simm.s32 $0x9;
	_ =	strace $0x80000048  }
0xb3: {  	_ =	swait.ge [sflag:s29], $0x1  }
0xb4: {  	[sflag:s29] =	ssyncadd.s32 $0xFFFFFFFF  }
0xb5: {  	_ =	strace $0x90000048  }
0xb6: {  	_ =	sfence  }
0xb7: {  	s30 =	sld [smem:$0x0];
	_ =	sdelay $0x2  }
0xb8: {  	s31 =	sshll.u32 s1, $0xD;
	s1 =	sshrl.u32 s1, $0x2  }
0xb9: {  	s3 =	sand.u32 $0x4000, s31;
	s1 =	sadd.s32 s1, s30  }
0xba: {  	s0 =	sor.u32 s3, s0;
	s1 =	sshll.u32 s1, $0x11  }
0xbb: {  	s0 =	sor.u32 s1, s0  }
0xbc: {  	s0 =	sadd.s32 $0x8F2B, s0  }
0xbd: {  	[sflag:s0] =	ssyncadd.remote.s32 $0x1  }
0xbe: {  	_ =	sfence.sel $0xFFFF  }
0xbf: {  	[dreg:$0x0] =	wrdreg $0xFFFFFFFF;
	(pc) =	sbr.abs _section_cstart, $3  }
0xc0: {  	[dreg:$0x1] =	wrdreg $0xFFFFFFFF  }
0xc1: {  	_ =	task.clear_ibuf [dreg:s7], $0x2FFFF;
	_ =	strace $0x9FFFFFFF  }
0xc2: {  	(tm) =	ssettm $0x7FFFFFFF  }
0xc3: {  	_ =	shalt  }
tec
execute0_lowered:
.L_overlay_start_1:
0x0: {  	(tag) =	ssettag $0x1  }
0x1: {  	s0 =	rddreg [dreg:$0x0]  }
0x2: {  	s1 =	srdreg.scid;
	s2 =	stileid.u32  }
0x3: {  	s5 =	rddreg [dreg:$0x1];
	s7 =	simm.s32 $0x2;
	s8 =	simm.s32 $0x80  }
0x4: {  	s10 =	simm.s32 $0x6800;
	s12 =	simm.s32 $0x7800;
	s14 =	simm.s32 $0x8800  }
0x5: {  	s16 =	simm.s32 $0x9800;
	s17 =	simm.s32 $0x1;
	s11 =	simm.s32 $0x5980  }
0x6: {  	s13 =	simm.s32 $0x5B80;
	s15 =	simm.s32 $0x5D80;
	s18 =	simm.s32 $0x5F80  }
0x7: {  	s19 =	simm.s32 $0x6180;
	s20 =	simm.s32 $0x6380;
	s21 =	simm.s32 $0x6580  }
0x8: {  	s22 =	simm.s32 $0x6780;
	s1 =	sand.u32 $0x1, s1;
	s3 =	sshll.u32 s2, $0x1  }
0x9: {  	s23 =	simm.s32 $0x0;
	s2 =	simm.s32 $0x0;
	s6 =	sor.u32 s1, s3  }
0xa: {  	[smem:$0x7FF] =	sst s2;
	s1 =	ssub.s32 $0x2, s1;
	s3 =	smul.u32 $0x680, s6  }
0xb: {  	_ =	strace $0x80000047;
	s30 =	sshrl.u32 s1, $0x1;
	s31 =	sshll.u32 s6, $0xB  }
0xc: {  	v0 =	vlaneseq.u32;
	s4 =	sadd.s32 s3, s0;
	s3 =	sadd.s32 $0x27ACA00, s0;
	s0 =	ssub.s32 s1, s30  }
0xd: {  	v0 =	vmul.u32 $0x1A, v0;
	s5 =	sadd.s32 s5, s31;
	s4 =	sadd.s32 $0x600, s4;
	s6 =	smax.u32 s0, $0x1  }
.LBB2_1:
0xe: {  	[tilespmem:s2], [sflag:$0x2] =	stream.linear.gather [hbm4b:s4+s2], $0x3400, $0x38;
	[tilespmem:$0xA800] =	vst v63  }
0xf: {  	_ =	swait.ge [sflag:s7], $0x3400  }
0x10: {  	[sflag:s7] =	ssyncset.done $0x0  }
0x11: {  	s24 =	simm.s32 $0x0;
	[sflag:s7] =	ssyncadd.s32 $0xFFFFCC00  }
.LBB2_2:
0x12: {  	s0 =	simm.s32 $0x0  }
0x13: {  	v1 =	vmov s0  }
0x14: {  	v2 =	vmul.u32 $0x1A, v1  }
0x15: {  	v1 =	vmov s24  }
0x16: {  	v2 =	vadd.s32 v1, v2  }
0x17: {  	v2 =	vbroadcast v2, $0x0;
	_ =	sdelay $0x1  }
0x18: {  	s1 =	simm.s32 $0x10;
	v2 =	vadd.s32 v0, v2  }
0x19: {  	v3 =	vmov s1  }
0x1a: {  	v3 =	vmul.u32 $0x1A, v3;
	_ =	sdelay $0x1  }
0x1b: {  	v3 =	vadd.s32 v1, v3  }
0x1c: {  	v4 =	vld.idx.msk [tilespmem:v2+s2+$0x0], $0xffff;
	v2 =	vbroadcast v3, $0x0  }
0x1d: {  	s28 =	smul.u32 $0x186A0, s24;
	s25 =	sshll.u32 s24, $0x9;
	s26 =	simm.s32 $0x0  }
0x1e: {  	s30 =	simm.s32 $0x20;
	s25 =	sand.u32 $0x3FFFFE00, s25;
	s29 =	sand.u32 $0x600, s26;
	v3 =	vadd.s32 v0, v2  }
0x1f: {  	v5 =	vmov s30;
	s25 =	sadd.s32 $0x3400, s25;
	s29 =	sshrl.u32 s29, $0x2  }
0x20: {  	s0 =	sand.u32 $0x40, s0;
	v5 =	vmul.u32 $0x1A, v5;
	v2 =	vmov s28;
	s28 =	sadd.s32 s29, s25  }
0x21: {  	s0 =	sadd.s32 s0, s28;
	v4 =	vadd.s32 v2, v4  }
0x22: {  	[tilespmem:s0+$0x0] =	vst v4;
	v4 =	vadd.s32 v1, v5  }
0x23: {  	v3 =	vld.idx.msk [tilespmem:v3+s2+$0x0], $0xffff;
	v4 =	vbroadcast v4, $0x0;
	_ =	sdelay $0x1  }
0x24: {  	v4 =	vadd.s32 v0, v4  }
0x25: {  	s0 =	simm.s32 $0x30  }
0x26: {  	s1 =	sand.u32 $0x50, s1;
	v5 =	vmov s0  }
0x27: {  	s1 =	sadd.s32 s1, s28;
	v5 =	vmul.u32 $0x1A, v5;
	v3 =	vadd.s32 v2, v3  }
0x28: {  	[tilespmem:s1+$0x0] =	vst v3  }
0x29: {  	v3 =	vadd.s32 v1, v5;
	v4 =	vld.idx.msk [tilespmem:v4+s2+$0x0], $0xffff  }
0x2a: {  	v3 =	vbroadcast v3, $0x0;
	_ =	sdelay $0x1  }
0x2b: {  	v3 =	vadd.s32 v0, v3  }
0x2c: {  	s31 =	simm.s32 $0x40;
	s9 =	sand.u32 $0x60, s30  }
0x2d: {  	s1 =	sadd.s32 s9, s28;
	v5 =	vmov s31;
	v4 =	vadd.s32 v2, v4  }
0x2e: {  	[tilespmem:s1+$0x0] =	vst v4;
	v4 =	vmul.u32 $0x1A, v5;
	_ =	sdelay $0x1  }
0x2f: {  	v5 =	vld.idx.msk [tilespmem:v3+s2+$0x0], $0xffff;
	v3 =	vadd.s32 v1, v4  }
0x30: {  	v3 =	vbroadcast v3, $0x0;
	_ =	sdelay $0x1  }
0x31: {  	v3 =	vadd.s32 v0, v3  }
0x32: {  	s1 =	simm.s32 $0x50  }
0x33: {  	s30 =	simm.s32 $0x4;
	s29 =	simm.s32 $0x70;
	s9 =	sand.u32 $0x70, s0;
	v4 =	vmov s1  }
0x34: {  	s0 =	sand.u32 $0x50, s1;
	s1 =	sadd.s32 s9, s28;
	s28 =	simm.s32 $0x70;
	v4 =	vmul.u32 $0x1A, v4;
	v5 =	vadd.s32 v2, v5  }
.LBB2_3:
0x35: {  	s30 =	sadd.s32 $0x4, s30;
	[tilespmem:s1+$0x0] =	vst v5;
	s26 =	sadd.s32 $0x100, s26  }
0x36: {  	p0 =	slt.u32 s30, $0x1C;
	v3 =	vld.idx.msk [tilespmem:v3+s2+$0x0], $0xffff;
	v4 =	vadd.s32 v1, v4  }
0x37: {  	v4 =	vbroadcast v4, $0x0;
	_ =	sdelay $0x1  }
0x38: {  	s1 =	sand.u32 $0x600, s26;
	v4 =	vadd.s32 v0, v4  }
0x39: {  	s9 =	sadd.s32 $0xFFFFFFF0, s29;
	s1 =	sshrl.u32 s1, $0x2  }
0x3a: {  	s31 =	sand.u32 $0x40, s31;
	v5 =	vmov s9;
	s1 =	sadd.s32 s1, s25  }
0x3b: {  	v5 =	vmul.u32 $0x1A, v5;
	s31 =	sadd.s32 s31, s1;
	s0 =	sadd.s32 s0, s1;
	v3 =	vadd.s32 v2, v3  }
0x3c: {  	[tilespmem:s31+$0x0] =	vst v3  }
0x3d: {  	v3 =	vld.idx.msk [tilespmem:v4+s2+$0x0], $0xffff;
	v4 =	vadd.s32 v1, v5  }
0x3e: {  	v4 =	vbroadcast v4, $0x0;
	_ =	sdelay $0x1  }
0x3f: {  	v4 =	vadd.s32 v0, v4;
	_ =	sdelay $0x1  }
0x40: {  	v5 =	vmov s29  }
0x41: {  	v5 =	vmul.u32 $0x1A, v5;
	v3 =	vadd.s32 v2, v3  }
0x42: {  	[tilespmem:s0+$0x0] =	vst v3  }
0x43: {  	v3 =	vld.idx.msk [tilespmem:v4+s2+$0x0], $0xffff;
	v4 =	vadd.s32 v1, v5  }
0x44: {  	v4 =	vbroadcast v4, $0x0;
	_ =	sdelay $0x1  }
0x45: {  	s29 =	sadd.s32 $0x40, s29;
	v4 =	vadd.s32 v0, v4  }
0x46: {  	s31 =	sadd.s32 $0xFFFFFFD0, s29  }
0x47: {  	s0 =	sand.u32 $0x60, s9;
	v5 =	vmov s31  }
0x48: {  	s0 =	sadd.s32 s0, s1;
	v5 =	vmul.u32 $0x1A, v5;
	v3 =	vadd.s32 v2, v3  }
0x49: {  	[tilespmem:s0+$0x0] =	vst v3  }
0x4a: {  	v3 =	vadd.s32 v1, v5;
	v5 =	vld.idx.msk [tilespmem:v4+s2+$0x0], $0xffff  }
0x4b: {  	v3 =	vbroadcast v3, $0x0  }
.Ltmp0:
0x4c: {  	(pc) =	sbr.rel @p0 .LBB2_3-.Ltmp0, $4  }
0x4d: {  	v3 =	vadd.s32 v0, v3  }
0x4e: {  	s0 =	sadd.s32 $0xFFFFFFE0, s29  }
0x4f: {  	s9 =	sand.u32 $0x70, s28;
	s28 =	smov.u32 s29;
	v4 =	vmov s0;
	s0 =	sand.u32 $0x50, s0  }
0x50: {  	s1 =	sadd.s32 s9, s1;
	v4 =	vmul.u32 $0x1A, v4;
	v5 =	vadd.s32 v2, v5  }
0x51: {  	_ =	sdelay $0x2  }
0x52: {  	[tilespmem:s1+$0x0] =	vst v5;
	v4 =	vadd.s32 v1, v4  }
0x53: {  	v3 =	vld.idx.msk [tilespmem:v3+s2+$0x0], $0xffff;
	v4 =	vbroadcast v4, $0x0  }
0x54: {  	s30 =	sadd.s32 $0x100, s26  }
0x55: {  	s9 =	sadd.s32 $0xFFFFFFF0, s29;
	s1 =	sand.u32 $0x600, s30;
	v4 =	vadd.s32 v0, v4  }
0x56: {  	v62 =	vmov s9;
	s1 =	sshrl.u32 s1, $0x2  }
0x57: {  	s31 =	sand.u32 $0x40, s31;
	v5 =	vmul.u32 $0x1A, v62;
	s1 =	sadd.s32 s1, s25  }
0x58: {  	s25 =	sadd.s32 s31, s1;
	v3 =	vadd.s32 v2, v3  }
0x59: {  	[tilespmem:s25+$0x0] =	vst v3;
	v3 =	vadd.s32 v1, v5  }
0x5a: {  	v3 =	vbroadcast v3, $0x0;
	v4 =	vld.idx.msk [tilespmem:v4+s2+$0x0], $0xffff;
	_ =	sdelay $0x1  }
0x5b: {  	v3 =	vadd.s32 v0, v3  }
0x5c: {  	v63 =	vmov s29  }
0x5d: {  	v5 =	vmul.u32 $0x1A, v63  }
0x5e: {  	s0 =	sadd.s32 s0, s1;
	v4 =	vadd.s32 v2, v4  }
0x5f: {  	v1 =	vadd.s32 v1, v5;
	[tilespmem:s0+$0x0] =	vst v4  }
0x60: {  	v1 =	vbroadcast v1, $0x0;
	v3 =	vld.idx.msk [tilespmem:v3+s2+$0x0], $0xffff;
	_ =	sdelay $0x1  }
0x61: {  	v1 =	vadd.s32 v0, v1;
	_ =	sdelay $0x1  }
0x62: {  	s30 =	sand.u32 $0x60, s9  }
0x63: {  	s0 =	sadd.s32 s30, s1;
	v3 =	vadd.s32 v2, v3  }
0x64: {  	[tilespmem:s0+$0x0] =	vst v3  }
0x65: {  	s24 =	sadd.s32 $0x1, s24;
	v1 =	vld.idx.msk [tilespmem:v1+s2+$0x0], $0xffff  }
0x66: {  	p0 =	sne.s32 s24, $0x1A  }
.Ltmp1:
0x67: {  	_ = 	snop;
	(pc) =	sbr.rel @p0 .LBB2_2-.Ltmp1, $4  }
0x68: {  	_ = 	snop  }
0x69: {  	s31 =	sand.u32 $0x70, s28  }
0x6a: {  	s0 =	sadd.s32 s31, s1;
	v1 =	vadd.s32 v2, v1  }
0x6b: {  	[tilespmem:s0+$0x0] =	vst v1  }
0x6c: {  	s0 =	simm.s32 $0x3400  }
0x6d: {  	[tilespmem:s10], [sflag:$0x1] =	stream.indirect.gather [hbm4b:s3+s8], $0x20, s0, s8, $0xb8;
	[tilespmem:$0xA800] =	vst v63  }
0x6e: {  	s26 =	simm.s32 $0x3480  }
0x6f: {  	[tilespmem:s12], [sflag:$0x1] =	stream.indirect.gather [hbm4b:s3+s8], $0x20, s26, s8, $0xb8;
	[tilespmem:$0xA800] =	vst v63  }
0x70: {  	s28 =	simm.s32 $0x3500  }
0x71: {  	[tilespmem:s14], [sflag:$0x1] =	stream.indirect.gather [hbm4b:s3+s8], $0x20, s28, s8, $0xb8;
	[tilespmem:$0xA800] =	vst v63  }
0x72: {  	s29 =	simm.s32 $0x3580  }
0x73: {  	[tilespmem:s16], [sflag:$0x1] =	stream.indirect.gather [hbm4b:s3+s8], $0x20, s29, s8, $0xb8;
	[tilespmem:$0xA800] =	vst v63  }
0x74: {  	_ =	swait.ge [sflag:s17], $0x1000  }
0x75: {  	[sflag:s17] =	ssyncset.done $0x0  }
0x76: {  	[sflag:s17] =	ssyncadd.s32 $0xFFFFF000  }
0x77: {  	_ =	swait.ge [sflag:s17], $0x1000  }
0x78: {  	[sflag:s17] =	ssyncset.done $0x0  }
0x79: {  	[sflag:s17] =	ssyncadd.s32 $0xFFFFF000  }
0x7a: {  	_ =	swait.ge [sflag:s17], $0x1000  }
0x7b: {  	[sflag:s17] =	ssyncset.done $0x0  }
0x7c: {  	[sflag:s17] =	ssyncadd.s32 $0xFFFFF000  }
0x7d: {  	_ =	swait.ge [sflag:s17], $0x1000  }
0x7e: {  	[sflag:s17] =	ssyncset.done $0x0  }
0x7f: {  	s30 =	simm.s32 $0x3600;
	[sflag:s17] =	ssyncadd.s32 $0xFFFFF000  }
0x80: {  	[tilespmem:s10], [sflag:$0x1] =	stream.indirect.gather.add.f32 [hbm:s3], $0x20, s30, s8, $0xb8;
	[tilespmem:$0xA800] =	vst v63  }
0x81: {  	s31 =	simm.s32 $0x3800  }
0x82: {  	[tilespmem:s10], [sflag:$0x1] =	stream.indirect.gather.add.f32 [hbm:s3], $0x20, s31, s8, $0xb8;
	[tilespmem:$0xA800] =	vst v63  }
0x83: {  	s1 =	simm.s32 $0x3A00  }
0x84: {  	[tilespmem:s10], [sflag:$0x1] =	stream.indirect.gather.add.f32 [hbm:s3], $0x20, s1, s8, $0xb8;
	[tilespmem:$0xA800] =	vst v63  }
0x85: {  	s9 =	simm.s32 $0x3C00  }
0x86: {  	[tilespmem:s10], [sflag:$0x1] =	stream.indirect.gather.add.f32 [hbm:s3], $0x20, s9, s8, $0xb8;
	[tilespmem:$0xA800] =	vst v63  }
0x87: {  	s24 =	simm.s32 $0x3E00  }
0x88: {  	[tilespmem:s10], [sflag:$0x1] =	stream.indirect.gather.add.f32 [hbm:s3], $0x20, s24, s8, $0xb8;
	[tilespmem:$0xA800] =	vst v63  }
0x89: {  	s25 =	simm.s32 $0x4000  }
0x8a: {  	[tilespmem:s10], [sflag:$0x1] =	stream.indirect.gather.add.f32 [hbm:s3], $0x20, s25, s8, $0xb8;
	[tilespmem:$0xA800] =	vst v63  }
0x8b: {  	s26 =	simm.s32 $0x4200  }
0x8c: {  	[tilespmem:s10], [sflag:$0x1] =	stream.indirect.gather.add.f32 [hbm:s3], $0x20, s26, s8, $0xb8;
	[tilespmem:$0xA800] =	vst v63  }
0x8d: {  	s28 =	simm.s32 $0x4400  }
0x8e: {  	[tilespmem:s10], [sflag:$0x1] =	stream.indirect.gather.add.f32 [hbm:s3], $0x20, s28, s8, $0xb8;
	[tilespmem:$0xA800] =	vst v63  }
0x8f: {  	s29 =	simm.s32 $0x4600  }
0x90: {  	[tilespmem:s10], [sflag:$0x1] =	stream.indirect.gather.add.f32 [hbm:s3], $0x20, s29, s8, $0xb8;
	[tilespmem:$0xA800] =	vst v63  }
0x91: {  	s30 =	simm.s32 $0x4800  }
0x92: {  	[tilespmem:s10], [sflag:$0x1] =	stream.indirect.gather.add.f32 [hbm:s3], $0x20, s30, s8, $0xb8;
	[tilespmem:$0xA800] =	vst v63  }
0x93: {  	s31 =	simm.s32 $0x4A00  }
0x94: {  	[tilespmem:s10], [sflag:$0x1] =	stream.indirect.gather.add.f32 [hbm:s3], $0x20, s31, s8, $0xb8;
	[tilespmem:$0xA800] =	vst v63  }
0x95: {  	s1 =	simm.s32 $0x4C00  }
0x96: {  	[tilespmem:s10], [sflag:$0x1] =	stream.indirect.gather.add.f32 [hbm:s3], $0x20, s1, s8, $0xb8;
	[tilespmem:$0xA800] =	vst v63  }
0x97: {  	s9 =	simm.s32 $0x4E00  }
0x98: {  	[tilespmem:s10], [sflag:$0x1] =	stream.indirect.gather.add.f32 [hbm:s3], $0x20, s9, s8, $0xb8;
	[tilespmem:$0xA800] =	vst v63  }
0x99: {  	s24 =	simm.s32 $0x5000  }
0x9a: {  	[tilespmem:s10], [sflag:$0x1] =	stream.indirect.gather.add.f32 [hbm:s3], $0x20, s24, s8, $0xb8;
	[tilespmem:$0xA800] =	vst v63  }
0x9b: {  	s25 =	simm.s32 $0x5200  }
0x9c: {  	[tilespmem:s10], [sflag:$0x1] =	stream.indirect.gather.add.f32 [hbm:s3], $0x20, s25, s8, $0xb8;
	[tilespmem:$0xA800] =	vst v63  }
0x9d: {  	s26 =	simm.s32 $0x5400  }
0x9e: {  	[tilespmem:s10], [sflag:$0x1] =	stream.indirect.gather.add.f32 [hbm:s3], $0x20, s26, s8, $0xb8;
	[tilespmem:$0xA800] =	vst v63  }
0x9f: {  	s28 =	simm.s32 $0x5600  }
0xa0: {  	[tilespmem:s10], [sflag:$0x1] =	stream.indirect.gather.add.f32 [hbm:s3], $0x20, s28, s8, $0xb8;
	[tilespmem:$0xA800] =	vst v63  }
0xa1: {  	s29 =	simm.s32 $0x5800  }
0xa2: {  	[tilespmem:s10], [sflag:$0x1] =	stream.indirect.gather.add.f32 [hbm:s3], $0x20, s29, s8, $0xb8;
	[tilespmem:$0xA800] =	vst v63  }
0xa3: {  	s30 =	simm.s32 $0x5A00  }
0xa4: {  	[tilespmem:s10], [sflag:$0x1] =	stream.indirect.gather.add.f32 [hbm:s3], $0x20, s30, s8, $0xb8;
	[tilespmem:$0xA800] =	vst v63  }
0xa5: {  	s31 =	simm.s32 $0x5C00  }
0xa6: {  	[tilespmem:s10], [sflag:$0x1] =	stream.indirect.gather.add.f32 [hbm:s3], $0x20, s31, s8, $0xb8;
	[tilespmem:$0xA800] =	vst v63  }
0xa7: {  	s1 =	simm.s32 $0x5E00  }
0xa8: {  	[tilespmem:s10], [sflag:$0x1] =	stream.indirect.gather.add.f32 [hbm:s3], $0x20, s1, s8, $0xb8;
	[tilespmem:$0xA800] =	vst v63  }
0xa9: {  	s9 =	simm.s32 $0x6000  }
0xaa: {  	[tilespmem:s10], [sflag:$0x1] =	stream.indirect.gather.add.f32 [hbm:s3], $0x20, s9, s8, $0xb8;
	[tilespmem:$0xA800] =	vst v63  }
0xab: {  	s24 =	simm.s32 $0x6200  }
0xac: {  	[tilespmem:s10], [sflag:$0x1] =	stream.indirect.gather.add.f32 [hbm:s3], $0x20, s24, s8, $0xb8;
	[tilespmem:$0xA800] =	vst v63  }
0xad: {  	s25 =	simm.s32 $0x6400  }
0xae: {  	[tilespmem:s10], [sflag:$0x1] =	stream.indirect.gather.add.f32 [hbm:s3], $0x20, s25, s8, $0xb8;
	[tilespmem:$0xA800] =	vst v63  }
0xaf: {  	s26 =	simm.s32 $0x6600  }
0xb0: {  	[tilespmem:s10], [sflag:$0x1] =	stream.indirect.gather.add.f32 [hbm:s3], $0x20, s26, s8, $0xb8;
	[tilespmem:$0xA800] =	vst v63  }
0xb1: {  	s28 =	simm.s32 $0x3680  }
0xb2: {  	[tilespmem:s12], [sflag:$0x1] =	stream.indirect.gather.add.f32 [hbm:s3], $0x20, s28, s8, $0xb8;
	[tilespmem:$0xA800] =	vst v63  }
0xb3: {  	s29 =	simm.s32 $0x3880  }
0xb4: {  	[tilespmem:s12], [sflag:$0x1] =	stream.indirect.gather.add.f32 [hbm:s3], $0x20, s29, s8, $0xb8;
	[tilespmem:$0xA800] =	vst v63  }
0xb5: {  	s30 =	simm.s32 $0x3A80  }
0xb6: {  	[tilespmem:s12], [sflag:$0x1] =	stream.indirect.gather.add.f32 [hbm:s3], $0x20, s30, s8, $0xb8;
	[tilespmem:$0xA800] =	vst v63  }
0xb7: {  	s31 =	simm.s32 $0x3C80  }
0xb8: {  	[tilespmem:s12], [sflag:$0x1] =	stream.indirect.gather.add.f32 [hbm:s3], $0x20, s31, s8, $0xb8;
	[tilespmem:$0xA800] =	vst v63  }
0xb9: {  	s1 =	simm.s32 $0x3E80  }
0xba: {  	[tilespmem:s12], [sflag:$0x1] =	stream.indirect.gather.add.f32 [hbm:s3], $0x20, s1, s8, $0xb8;
	[tilespmem:$0xA800] =	vst v63  }
0xbb: {  	s9 =	simm.s32 $0x4080  }
0xbc: {  	[tilespmem:s12], [sflag:$0x1] =	stream.indirect.gather.add.f32 [hbm:s3], $0x20, s9, s8, $0xb8;
	[tilespmem:$0xA800] =	vst v63  }
0xbd: {  	s24 =	simm.s32 $0x4280  }
0xbe: {  	[tilespmem:s12], [sflag:$0x1] =	stream.indirect.gather.add.f32 [hbm:s3], $0x20, s24, s8, $0xb8;
	[tilespmem:$0xA800] =	vst v63  }
0xbf: {  	s25 =	simm.s32 $0x4480  }
0xc0: {  	[tilespmem:s12], [sflag:$0x1] =	stream.indirect.gather.add.f32 [hbm:s3], $0x20, s25, s8, $0xb8;
	[tilespmem:$0xA800] =	vst v63  }
0xc1: {  	s26 =	simm.s32 $0x4680  }
0xc2: {  	[tilespmem:s12], [sflag:$0x1] =	stream.indirect.gather.add.f32 [hbm:s3], $0x20, s26, s8, $0xb8;
	[tilespmem:$0xA800] =	vst v63  }
0xc3: {  	s28 =	simm.s32 $0x4880  }
0xc4: {  	[tilespmem:s12], [sflag:$0x1] =	stream.indirect.gather.add.f32 [hbm:s3], $0x20, s28, s8, $0xb8;
	[tilespmem:$0xA800] =	vst v63  }
0xc5: {  	s29 =	simm.s32 $0x4A80  }
0xc6: {  	[tilespmem:s12], [sflag:$0x1] =	stream.indirect.gather.add.f32 [hbm:s3], $0x20, s29, s8, $0xb8;
	[tilespmem:$0xA800] =	vst v63  }
0xc7: {  	s30 =	simm.s32 $0x4C80  }
0xc8: {  	[tilespmem:s12], [sflag:$0x1] =	stream.indirect.gather.add.f32 [hbm:s3], $0x20, s30, s8, $0xb8;
	[tilespmem:$0xA800] =	vst v63  }
0xc9: {  	s31 =	simm.s32 $0x4E80  }
0xca: {  	[tilespmem:s12], [sflag:$0x1] =	stream.indirect.gather.add.f32 [hbm:s3], $0x20, s31, s8, $0xb8;
	[tilespmem:$0xA800] =	vst v63  }
0xcb: {  	s1 =	simm.s32 $0x5080  }
0xcc: {  	[tilespmem:s12], [sflag:$0x1] =	stream.indirect.gather.add.f32 [hbm:s3], $0x20, s1, s8, $0xb8;
	[tilespmem:$0xA800] =	vst v63  }
0xcd: {  	s9 =	simm.s32 $0x5280  }
0xce: {  	[tilespmem:s12], [sflag:$0x1] =	stream.indirect.gather.add.f32 [hbm:s3], $0x20, s9, s8, $0xb8;
	[tilespmem:$0xA800] =	vst v63  }
0xcf: {  	s24 =	simm.s32 $0x5480  }
0xd0: {  	[tilespmem:s12], [sflag:$0x1] =	stream.indirect.gather.add.f32 [hbm:s3], $0x20, s24, s8, $0xb8;
	[tilespmem:$0xA800] =	vst v63  }
0xd1: {  	s25 =	simm.s32 $0x5680  }
0xd2: {  	[tilespmem:s12], [sflag:$0x1] =	stream.indirect.gather.add.f32 [hbm:s3], $0x20, s25, s8, $0xb8;
	[tilespmem:$0xA800] =	vst v63  }
0xd3: {  	s26 =	simm.s32 $0x5880  }
0xd4: {  	[tilespmem:s12], [sflag:$0x1] =	stream.indirect.gather.add.f32 [hbm:s3], $0x20, s26, s8, $0xb8;
	[tilespmem:$0xA800] =	vst v63  }
0xd5: {  	s28 =	simm.s32 $0x5A80  }
0xd6: {  	[tilespmem:s12], [sflag:$0x1] =	stream.indirect.gather.add.f32 [hbm:s3], $0x20, s28, s8, $0xb8;
	[tilespmem:$0xA800] =	vst v63  }
0xd7: {  	s29 =	simm.s32 $0x5C80  }
0xd8: {  	[tilespmem:s12], [sflag:$0x1] =	stream.indirect.gather.add.f32 [hbm:s3], $0x20, s29, s8, $0xb8;
	[tilespmem:$0xA800] =	vst v63  }
0xd9: {  	s30 =	simm.s32 $0x5E80  }
0xda: {  	[tilespmem:s12], [sflag:$0x1] =	stream.indirect.gather.add.f32 [hbm:s3], $0x20, s30, s8, $0xb8;
	[tilespmem:$0xA800] =	vst v63  }
0xdb: {  	s31 =	simm.s32 $0x6080  }
0xdc: {  	[tilespmem:s12], [sflag:$0x1] =	stream.indirect.gather.add.f32 [hbm:s3], $0x20, s31, s8, $0xb8;
	[tilespmem:$0xA800] =	vst v63  }
0xdd: {  	s1 =	simm.s32 $0x6280  }
0xde: {  	[tilespmem:s12], [sflag:$0x1] =	stream.indirect.gather.add.f32 [hbm:s3], $0x20, s1, s8, $0xb8;
	[tilespmem:$0xA800] =	vst v63  }
0xdf: {  	s9 =	simm.s32 $0x6480  }
0xe0: {  	[tilespmem:s12], [sflag:$0x1] =	stream.indirect.gather.add.f32 [hbm:s3], $0x20, s9, s8, $0xb8;
	[tilespmem:$0xA800] =	vst v63  }
0xe1: {  	s24 =	simm.s32 $0x6680  }
0xe2: {  	[tilespmem:s12], [sflag:$0x1] =	stream.indirect.gather.add.f32 [hbm:s3], $0x20, s24, s8, $0xb8;
	[tilespmem:$0xA800] =	vst v63  }
0xe3: {  	s25 =	simm.s32 $0x3700  }
0xe4: {  	[tilespmem:s14], [sflag:$0x1] =	stream.indirect.gather.add.f32 [hbm:s3], $0x20, s25, s8, $0xb8;
	[tilespmem:$0xA800] =	vst v63  }
0xe5: {  	s26 =	simm.s32 $0x3900  }
0xe6: {  	[tilespmem:s14], [sflag:$0x1] =	stream.indirect.gather.add.f32 [hbm:s3], $0x20, s26, s8, $0xb8;
	[tilespmem:$0xA800] =	vst v63  }
0xe7: {  	s28 =	simm.s32 $0x3B00  }
0xe8: {  	[tilespmem:s14], [sflag:$0x1] =	stream.indirect.gather.add.f32 [hbm:s3], $0x20, s28, s8, $0xb8;
	[tilespmem:$0xA800] =	vst v63  }
0xe9: {  	s29 =	simm.s32 $0x3D00  }
0xea: {  	[tilespmem:s14], [sflag:$0x1] =	stream.indirect.gather.add.f32 [hbm:s3], $0x20, s29, s8, $0xb8;
	[tilespmem:$0xA800] =	vst v63  }
0xeb: {  	s30 =	simm.s32 $0x3F00  }
0xec: {  	[tilespmem:s14], [sflag:$0x1] =	stream.indirect.gather.add.f32 [hbm:s3], $0x20, s30, s8, $0xb8;
	[tilespmem:$0xA800] =	vst v63  }
0xed: {  	s31 =	simm.s32 $0x4100  }
0xee: {  	[tilespmem:s14], [sflag:$0x1] =	stream.indirect.gather.add.f32 [hbm:s3], $0x20, s31, s8, $0xb8;
	[tilespmem:$0xA800] =	vst v63  }
0xef: {  	s1 =	simm.s32 $0x4300  }
0xf0: {  	[tilespmem:s14], [sflag:$0x1] =	stream.indirect.gather.add.f32 [hbm:s3], $0x20, s1, s8, $0xb8;
	[tilespmem:$0xA800] =	vst v63  }
0xf1: {  	s9 =	simm.s32 $0x4500  }
0xf2: {  	[tilespmem:s14], [sflag:$0x1] =	stream.indirect.gather.add.f32 [hbm:s3], $0x20, s9, s8, $0xb8;
	[tilespmem:$0xA800] =	vst v63  }
0xf3: {  	s24 =	simm.s32 $0x4700  }
0xf4: {  	[tilespmem:s14], [sflag:$0x1] =	stream.indirect.gather.add.f32 [hbm:s3], $0x20, s24, s8, $0xb8;
	[tilespmem:$0xA800] =	vst v63  }
0xf5: {  	s25 =	simm.s32 $0x4900  }
0xf6: {  	[tilespmem:s14], [sflag:$0x1] =	stream.indirect.gather.add.f32 [hbm:s3], $0x20, s25, s8, $0xb8;
	[tilespmem:$0xA800] =	vst v63  }
0xf7: {  	s26 =	simm.s32 $0x4B00  }
0xf8: {  	[tilespmem:s14], [sflag:$0x1] =	stream.indirect.gather.add.f32 [hbm:s3], $0x20, s26, s8, $0xb8;
	[tilespmem:$0xA800] =	vst v63  }
0xf9: {  	s28 =	simm.s32 $0x4D00  }
0xfa: {  	[tilespmem:s14], [sflag:$0x1] =	stream.indirect.gather.add.f32 [hbm:s3], $0x20, s28, s8, $0xb8;
	[tilespmem:$0xA800] =	vst v63  }
0xfb: {  	s29 =	simm.s32 $0x4F00  }
0xfc: {  	[tilespmem:s14], [sflag:$0x1] =	stream.indirect.gather.add.f32 [hbm:s3], $0x20, s29, s8, $0xb8;
	[tilespmem:$0xA800] =	vst v63  }
0xfd: {  	s30 =	simm.s32 $0x5100  }
0xfe: {  	[tilespmem:s14], [sflag:$0x1] =	stream.indirect.gather.add.f32 [hbm:s3], $0x20, s30, s8, $0xb8;
	[tilespmem:$0xA800] =	vst v63  }
0xff: {  	s31 =	simm.s32 $0x5300  }
0x100: {  	[tilespmem:s14], [sflag:$0x1] =	stream.indirect.gather.add.f32 [hbm:s3], $0x20, s31, s8, $0xb8;
	[tilespmem:$0xA800] =	vst v63  }
0x101: {  	s1 =	simm.s32 $0x5500  }
0x102: {  	[tilespmem:s14], [sflag:$0x1] =	stream.indirect.gather.add.f32 [hbm:s3], $0x20, s1, s8, $0xb8;
	[tilespmem:$0xA800] =	vst v63  }
0x103: {  	s9 =	simm.s32 $0x5700  }
0x104: {  	[tilespmem:s14], [sflag:$0x1] =	stream.indirect.gather.add.f32 [hbm:s3], $0x20, s9, s8, $0xb8;
	[tilespmem:$0xA800] =	vst v63  }
0x105: {  	s24 =	simm.s32 $0x5900  }
0x106: {  	[tilespmem:s14], [sflag:$0x1] =	stream.indirect.gather.add.f32 [hbm:s3], $0x20, s24, s8, $0xb8;
	[tilespmem:$0xA800] =	vst v63  }
0x107: {  	s25 =	simm.s32 $0x5B00  }
0x108: {  	[tilespmem:s14], [sflag:$0x1] =	stream.indirect.gather.add.f32 [hbm:s3], $0x20, s25, s8, $0xb8;
	[tilespmem:$0xA800] =	vst v63  }
0x109: {  	s26 =	simm.s32 $0x5D00  }
0x10a: {  	[tilespmem:s14], [sflag:$0x1] =	stream.indirect.gather.add.f32 [hbm:s3], $0x20, s26, s8, $0xb8;
	[tilespmem:$0xA800] =	vst v63  }
0x10b: {  	s28 =	simm.s32 $0x5F00  }
0x10c: {  	[tilespmem:s14], [sflag:$0x1] =	stream.indirect.gather.add.f32 [hbm:s3], $0x20, s28, s8, $0xb8;
	[tilespmem:$0xA800] =	vst v63  }
0x10d: {  	s29 =	simm.s32 $0x6100  }
0x10e: {  	[tilespmem:s14], [sflag:$0x1] =	stream.indirect.gather.add.f32 [hbm:s3], $0x20, s29, s8, $0xb8;
	[tilespmem:$0xA800] =	vst v63  }
0x10f: {  	s30 =	simm.s32 $0x6300  }
0x110: {  	[tilespmem:s14], [sflag:$0x1] =	stream.indirect.gather.add.f32 [hbm:s3], $0x20, s30, s8, $0xb8;
	[tilespmem:$0xA800] =	vst v63  }
0x111: {  	s31 =	simm.s32 $0x6500  }
0x112: {  	[tilespmem:s14], [sflag:$0x1] =	stream.indirect.gather.add.f32 [hbm:s3], $0x20, s31, s8, $0xb8;
	[tilespmem:$0xA800] =	vst v63  }
0x113: {  	s1 =	simm.s32 $0x6700  }
0x114: {  	[tilespmem:s14], [sflag:$0x1] =	stream.indirect.gather.add.f32 [hbm:s3], $0x20, s1, s8, $0xb8;
	[tilespmem:$0xA800] =	vst v63  }
0x115: {  	s9 =	simm.s32 $0x3780  }
0x116: {  	[tilespmem:s16], [sflag:$0x1] =	stream.indirect.gather.add.f32 [hbm:s3], $0x20, s9, s8, $0xb8;
	[tilespmem:$0xA800] =	vst v63  }
0x117: {  	s24 =	simm.s32 $0x3980  }
0x118: {  	[tilespmem:s16], [sflag:$0x1] =	stream.indirect.gather.add.f32 [hbm:s3], $0x20, s24, s8, $0xb8;
	[tilespmem:$0xA800] =	vst v63  }
0x119: {  	s25 =	simm.s32 $0x3B80  }
0x11a: {  	[tilespmem:s16], [sflag:$0x1] =	stream.indirect.gather.add.f32 [hbm:s3], $0x20, s25, s8, $0xb8;
	[tilespmem:$0xA800] =	vst v63  }
0x11b: {  	s26 =	simm.s32 $0x3D80  }
0x11c: {  	[tilespmem:s16], [sflag:$0x1] =	stream.indirect.gather.add.f32 [hbm:s3], $0x20, s26, s8, $0xb8;
	[tilespmem:$0xA800] =	vst v63  }
0x11d: {  	s28 =	simm.s32 $0x3F80  }
0x11e: {  	[tilespmem:s16], [sflag:$0x1] =	stream.indirect.gather.add.f32 [hbm:s3], $0x20, s28, s8, $0xb8;
	[tilespmem:$0xA800] =	vst v63  }
0x11f: {  	s29 =	simm.s32 $0x4180  }
0x120: {  	[tilespmem:s16], [sflag:$0x1] =	stream.indirect.gather.add.f32 [hbm:s3], $0x20, s29, s8, $0xb8;
	[tilespmem:$0xA800] =	vst v63  }
0x121: {  	s30 =	simm.s32 $0x4380  }
0x122: {  	[tilespmem:s16], [sflag:$0x1] =	stream.indirect.gather.add.f32 [hbm:s3], $0x20, s30, s8, $0xb8;
	[tilespmem:$0xA800] =	vst v63  }
0x123: {  	s31 =	simm.s32 $0x4580  }
0x124: {  	[tilespmem:s16], [sflag:$0x1] =	stream.indirect.gather.add.f32 [hbm:s3], $0x20, s31, s8, $0xb8;
	[tilespmem:$0xA800] =	vst v63  }
0x125: {  	s1 =	simm.s32 $0x4780  }
0x126: {  	[tilespmem:s16], [sflag:$0x1] =	stream.indirect.gather.add.f32 [hbm:s3], $0x20, s1, s8, $0xb8;
	[tilespmem:$0xA800] =	vst v63  }
0x127: {  	s9 =	simm.s32 $0x4980  }
0x128: {  	[tilespmem:s16], [sflag:$0x1] =	stream.indirect.gather.add.f32 [hbm:s3], $0x20, s9, s8, $0xb8;
	[tilespmem:$0xA800] =	vst v63  }
0x129: {  	s24 =	simm.s32 $0x4B80  }
0x12a: {  	[tilespmem:s16], [sflag:$0x1] =	stream.indirect.gather.add.f32 [hbm:s3], $0x20, s24, s8, $0xb8;
	[tilespmem:$0xA800] =	vst v63  }
0x12b: {  	s25 =	simm.s32 $0x4D80  }
0x12c: {  	[tilespmem:s16], [sflag:$0x1] =	stream.indirect.gather.add.f32 [hbm:s3], $0x20, s25, s8, $0xb8;
	[tilespmem:$0xA800] =	vst v63  }
0x12d: {  	s26 =	simm.s32 $0x4F80  }
0x12e: {  	[tilespmem:s16], [sflag:$0x1] =	stream.indirect.gather.add.f32 [hbm:s3], $0x20, s26, s8, $0xb8;
	[tilespmem:$0xA800] =	vst v63  }
0x12f: {  	s28 =	simm.s32 $0x5180  }
0x130: {  	[tilespmem:s16], [sflag:$0x1] =	stream.indirect.gather.add.f32 [hbm:s3], $0x20, s28, s8, $0xb8;
	[tilespmem:$0xA800] =	vst v63  }
0x131: {  	s29 =	simm.s32 $0x5380  }
0x132: {  	[tilespmem:s16], [sflag:$0x1] =	stream.indirect.gather.add.f32 [hbm:s3], $0x20, s29, s8, $0xb8;
	[tilespmem:$0xA800] =	vst v63  }
0x133: {  	s30 =	simm.s32 $0x5580  }
0x134: {  	[tilespmem:s16], [sflag:$0x1] =	stream.indirect.gather.add.f32 [hbm:s3], $0x20, s30, s8, $0xb8;
	[tilespmem:$0xA800] =	vst v63  }
0x135: {  	s31 =	simm.s32 $0x5780  }
0x136: {  	[tilespmem:s16], [sflag:$0x1] =	stream.indirect.gather.add.f32 [hbm:s3], $0x20, s31, s8, $0xb8;
	[tilespmem:$0xA800] =	vst v63  }
0x137: {  	_ = 	snop  }
0x138: {  	[tilespmem:s16], [sflag:$0x1] =	stream.indirect.gather.add.f32 [hbm:s3], $0x20, s11, s8, $0xb8;
	[tilespmem:$0xA800] =	vst v63  }
0x139: {  	_ = 	snop  }
0x13a: {  	[tilespmem:s16], [sflag:$0x1] =	stream.indirect.gather.add.f32 [hbm:s3], $0x20, s13, s8, $0xb8;
	[tilespmem:$0xA800] =	vst v63  }
0x13b: {  	_ = 	snop  }
0x13c: {  	[tilespmem:s16], [sflag:$0x1] =	stream.indirect.gather.add.f32 [hbm:s3], $0x20, s15, s8, $0xb8;
	[tilespmem:$0xA800] =	vst v63  }
0x13d: {  	_ = 	snop  }
0x13e: {  	[tilespmem:s16], [sflag:$0x1] =	stream.indirect.gather.add.f32 [hbm:s3], $0x20, s18, s8, $0xb8;
	[tilespmem:$0xA800] =	vst v63  }
0x13f: {  	_ = 	snop  }
0x140: {  	[tilespmem:s16], [sflag:$0x1] =	stream.indirect.gather.add.f32 [hbm:s3], $0x20, s19, s8, $0xb8;
	[tilespmem:$0xA800] =	vst v63  }
0x141: {  	_ = 	snop  }
0x142: {  	[tilespmem:s16], [sflag:$0x1] =	stream.indirect.gather.add.f32 [hbm:s3], $0x20, s20, s8, $0xb8;
	[tilespmem:$0xA800] =	vst v63  }
0x143: {  	_ = 	snop  }
0x144: {  	[tilespmem:s16], [sflag:$0x1] =	stream.indirect.gather.add.f32 [hbm:s3], $0x20, s21, s8, $0xb8;
	[tilespmem:$0xA800] =	vst v63  }
0x145: {  	_ = 	snop  }
0x146: {  	[tilespmem:s16], [sflag:$0x1] =	stream.indirect.gather.add.f32 [hbm:s3], $0x20, s22, s8, $0xb8;
	[tilespmem:$0xA800] =	vst v63  }
0x147: {  	_ =	swait.ge [sflag:s17], $0x1000  }
0x148: {  	s0 =	simm.s32 $0x63;
	[sflag:s17] =	ssyncset.done $0x0  }
.LBB2_6:
0x149: {  	p0 =	sne.s32 s0, $0x1;
	s0 =	sadd.s32 $0xFFFFFFFF, s0;
	[sflag:s17] =	ssyncadd.s32 $0xFFFFF000  }
.Ltmp2:
0x14a: {  	(pc) =	sbr.rel @p0 .LBB2_6-.Ltmp2, $3  }
0x14b: {  	_ =	sdelay $0x1  }
0x14c: {  	_ =	swait.ge [sflag:s17], $0x1000  }
0x14d: {  	[sflag:s17] =	ssyncset.done $0x0  }
0x14e: {  	s23 =	sadd.s32 $0x1, s23  }
0x14f: {  	p0 =	sne.s32 s23, s6  }
.Ltmp3:
0x150: {  	[sflag:s17] =	ssyncadd.s32 $0xFFFFF000;
	(pc) =	sbr.rel @p0 .LBB2_1-.Ltmp3, $4  }
0x151: {  	[hbm4b:s5+s2] =	stream.linear.scatter [tilespmem:s10], [sflag:$0x2], $0x4000, $0x38;
	[tilespmem:$0xA800] =	vst v63  }
0x152: {  	_ =	swait.ge [sflag:s7], $0x4000  }
0x153: {  	[sflag:s7] =	ssyncset.done $0x0  }
0x154: {  	[sflag:s7] =	ssyncadd.s32 $0xFFFFC000  }
0x155: {  	_ =	sfence.sel $0x180000  }
0x156: {  	[bflag:$0x0] =	sbarrier.arrive $0xFFFF  }
0x157: {  	_ =	strace $0x90000047  }
0x158: {  	s0 =	stileid.u32;
	[bflag:$0x2] =	sbarrier.arrive $0xFFFF  }
0x159: {  	p0 =	sne.s32 s0, $0x0;
	s0 =	rddreg [dreg:$0x2]  }
0x15a: {  	s0 =	sadd.s32 @!p0 $0x100000, s0  }
0x15b: {  	[sflag:s0] =	ssyncadd.tile.s32 @!p0 $0x1;
	_ =	shalt  }
.Lfunc_end2:
_tile_overlayer_lowered:
.L_overlay_start_2:
0x15c: {  	(tag) =	ssettag $0x2  }
0x15d: {  	s0 =	rddreg [dreg:$0x0];
	s2 =	stileid.u32  }
0x15e: {  	s1 =	rddreg [dreg:$0x1];
	p0 =	sne.s32 s2, $0x0  }
0x15f: {  	s3 =	rddreg [dreg:$0x2];
	[bflag:$0x3] =	sbarrier.arrive $0xFFFF;
	s2 =	simm.s32 @!p0 $0x1C02  }
0x160: {  	[timem:s3], [sflag:s2] =	dma.local @!p0 [hbm:s0], s1  }
0x161: {  	s0 =	simm.s32 @!p0 $0x2  }
0x162: {  	_ =	swait.ge @!p0 [sflag:s0], s1  }
0x163: {  	s1 =	ssub.s32 @!p0 $0x0, s1;
	[sflag:s0] =	ssyncset.done @!p0 $0x0  }
0x164: {  	[sflag:s0] =	ssyncadd.s32 @!p0 s1  }
0x165: {  	[bflag:$0x3] =	sbarrier.arrive $0xFFFF  }
0x166: {  	_ =	shalt  }

</sc_bundles>
